<compile_context>
chip_gen: v7x
topology: tpu7x:2x2x1
jax: 0.10.2.dev20260603
libtpu: 0.0.44.dev20260713+nightly
codegen_flags: <defaults>
</compile_context>

<pallas_src>
import jax
import jax.numpy as jnp
from jax import lax
from jax.experimental import pallas as pl
from jax.experimental.pallas import tpu as pltpu
from jax.experimental.pallas import tpu_sc as plsc

_N, _A, _C = 32, 8732, 21
_APAD = 8736
_NCH = _APAD // 16


def _ce_loc_body(cp_ref, ct_ref, lp_ref, lt_ref,
                 negce_ref, negbits_ref, pvec_ref, pcnt_ref, posce_ref,
                 locsum_ref):
    i = pl.program_id(0)
    x = cp_ref[0]
    tgt = ct_ref[0]
    lp = lp_ref[0]
    lt = lt_ref[0]

    lidx = jax.lax.broadcasted_iota(jnp.int32, (1, _A), 1)
    valid = lidx < _A
    pos = (tgt > 0) & valid

    m = jnp.max(x, axis=0, keepdims=True)
    s = jnp.sum(jnp.exp(x - m), axis=0, keepdims=True)
    lse = m + jnp.log(s)
    cidx = jax.lax.broadcasted_iota(jnp.int32, (_C, _A), 0)
    xt = jnp.sum(jnp.where(cidx == tgt, x, 0.0), axis=0, keepdims=True)
    ce = lse - xt

    negce = jnp.concatenate(
        [jnp.where(valid & (tgt == 0), ce, -1.0),
         jnp.full((1, _APAD - _A), -1.0, jnp.float32)], axis=1)
    negce_ref[0] = negce
    negbits_ref[0] = jax.lax.bitcast_convert_type(negce, jnp.int32)

    d = lp - lt
    ad = jnp.abs(d)
    sl1 = jnp.sum(jnp.where(ad < 1.0, 0.5 * d * d, ad - 0.5),
                  axis=0, keepdims=True)
    lsum = jnp.sum(jnp.where(pos, sl1, 0.0))
    pce = jnp.sum(jnp.where(pos, ce, 0.0))
    pc = jnp.sum(jnp.where(pos, 1, 0).astype(jnp.int32))

    pcnt_ref[i] = pc
    pvec_ref[0] = jnp.full((1, 16), pc, jnp.int32).astype(jnp.float32)

    @pl.when(i == 0)
    def _():
        posce_ref[0] = pce
        locsum_ref[0] = lsum

    @pl.when(i != 0)
    def _():
        posce_ref[0] += pce
        locsum_ref[0] += lsum


def _splat_sum(x):
    for d in (1, 2, 4, 8):
        idx = lax.iota(jnp.int32, 16) ^ d
        x = x + x.at[idx].get(mode="promise_in_bounds")
    return x


def _splat_max(x):
    for d in (1, 2, 4, 8):
        idx = lax.iota(jnp.int32, 16) ^ d
        x = jnp.maximum(x, x.at[idx].get(mode="promise_in_bounds"))
    return x


def _sc_mine_body(negce_hbm, bits_hbm, pp_hbm, out_hbm, row_v, row_iv, p_v,
                  out_v):
    wid = lax.axis_index("s") * 2 + lax.axis_index("c")
    pltpu.sync_copy(negce_hbm.at[wid], row_v)
    pltpu.sync_copy(bits_hbm.at[wid], row_iv)
    pltpu.sync_copy(pp_hbm.at[wid], p_v)
    p = p_v[...][0]
    k = jnp.minimum(3.0 * p, _A - p)

    zf = jnp.zeros((16,), jnp.float32)
    onef = jnp.ones((16,), jnp.float32)

    def scalarize(vec):
        return vec[0]

    def pass1(c, carry):
        s, n = carry
        v = row_v[pl.ds(c * 16, 16)]
        m = v >= 0.0
        return s + jnp.where(m, v, zf), n + jnp.where(m, onef, zf)

    s, n = lax.fori_loop(0, _NCH, pass1, (zf, zf))
    s_all = scalarize(_splat_sum(s))
    nneg = scalarize(_splat_sum(n))

    def fast(_):
        return s_all

    def slow(_):
        def bitstep(b, t):
            cand = t | jnp.left_shift(jnp.int32(1), 30 - b)

            def cnt_body(c, acc):
                bits = row_iv[pl.ds(c * 16, 16)]
                return acc + jnp.where(bits >= cand, onef, zf)

            cnt = scalarize(_splat_sum(lax.fori_loop(0, _NCH, cnt_body, zf)))
            return jnp.where(cnt >= k, cand, t)

        t = lax.fori_loop(0, 31, bitstep, jnp.int32(0))

        def fin(c, carry):
            sg, cg, te = carry
            v = row_v[pl.ds(c * 16, 16)]
            bits = row_iv[pl.ds(c * 16, 16)]
            m = bits > t
            return (sg + jnp.where(m, v, zf), cg + jnp.where(m, onef, zf),
                    jnp.where(bits == t, v, te))

        sg, cg, te = lax.fori_loop(0, _NCH, fin, (zf, zf, zf))
        sgt = scalarize(_splat_sum(sg))
        cgt = scalarize(_splat_sum(cg))
        tf = scalarize(_splat_max(te))
        mult = jnp.maximum(k - cgt, 0.0)
        return sgt + mult * tf

    res = lax.cond(k >= nneg, fast, slow, 0)
    out_v[...] = jnp.full((16,), res, jnp.float32)
    pltpu.sync_copy(out_v, out_hbm.at[wid])


@jax.jit
def kernel(loc_preds, loc_targets, cls_preds, cls_targets):
    cpT = jnp.transpose(cls_preds, (0, 2, 1))
    lpT = jnp.transpose(loc_preds, (0, 2, 1))
    ltT = jnp.transpose(loc_targets, (0, 2, 1))
    ct3 = cls_targets.reshape(_N, 1, _A)

    negce3, negbits3, pvec3, pcnt, posce, locsum = pl.pallas_call(
        _ce_loc_body,
        grid=(_N,),
        in_specs=[
            pl.BlockSpec((1, _C, _A), lambda i: (i, 0, 0)),
            pl.BlockSpec((1, 1, _A), lambda i: (i, 0, 0)),
            pl.BlockSpec((1, 4, _A), lambda i: (i, 0, 0)),
            pl.BlockSpec((1, 4, _A), lambda i: (i, 0, 0)),
        ],
        out_specs=[
            pl.BlockSpec((1, 1, _APAD), lambda i: (i, 0, 0)),
            pl.BlockSpec((1, 1, _APAD), lambda i: (i, 0, 0)),
            pl.BlockSpec((1, 1, 16), lambda i: (i, 0, 0)),
            pl.BlockSpec(memory_space=pltpu.SMEM),
            pl.BlockSpec(memory_space=pltpu.SMEM),
            pl.BlockSpec(memory_space=pltpu.SMEM),
        ],
        out_shape=[
            jax.ShapeDtypeStruct((_N, 1, _APAD), jnp.float32),
            jax.ShapeDtypeStruct((_N, 1, _APAD), jnp.int32),
            jax.ShapeDtypeStruct((_N, 1, 16), jnp.float32),
            jax.ShapeDtypeStruct((_N,), jnp.int32),
            jax.ShapeDtypeStruct((1,), jnp.float32),
            jax.ShapeDtypeStruct((1,), jnp.float32),
        ],
    )(cpT, ct3, lpT, ltT)

    sc_mine = pl.kernel(
        _sc_mine_body,
        out_type=jax.ShapeDtypeStruct((_N, 16), jnp.float32),
        mesh=plsc.VectorSubcoreMesh(core_axis_name="c", subcore_axis_name="s"),
        scratch_types=[
            pltpu.VMEM((_APAD,), jnp.float32),
            pltpu.VMEM((_APAD,), jnp.int32),
            pltpu.VMEM((16,), jnp.float32),
            pltpu.VMEM((16,), jnp.float32),
        ],
    )
    topk_rows = sc_mine(negce3.reshape(_N, _APAD),
                        negbits3.reshape(_N, _APAD),
                        pvec3.reshape(_N, 16))

    num_pos = jnp.sum(pcnt).astype(jnp.float32)
    cls_loss = posce[0] + jnp.sum(topk_rows[:, 0])
    return (locsum[0] / num_pos, cls_loss / num_pos)

# --- scband reference (transcript-rebuilt; emitter-appended) ---
"""Pipeline reference for scband-ssdloss-70781061038204 (READ-ONLY COPY).

The authoritative reference and input builder live on the scoring server;
editing this copy changes nothing except your own understanding.
"""

import jax, jax.numpy as jnp
import numpy as np

N, A, C = 32, 8732, 21

def setup_inputs(seed: int = 0) -> dict:
    key = jax.random.key(seed)
    k1, k2, k3, k4 = jax.random.split(key, 4)
    loc_preds = jax.random.normal(k1, (N, A, 4), dtype=jnp.float32)
    loc_targets = jax.random.normal(k2, (N, A, 4), dtype=jnp.float32)
    cls_preds = jax.random.normal(k3, (N, A, C), dtype=jnp.float32)
    cls_targets = jax.random.randint(k4, (N, A), 0, C).astype(jnp.int32)
    return {"loc_preds": loc_preds, "loc_targets": loc_targets, "cls_preds": cls_preds, "cls_targets": cls_targets}

def _smooth_l1(x, y):
    d = x - y
    ad = jnp.abs(d)
    return jnp.where(ad < 1.0, 0.5 * d * d, ad - 0.5)

def _hard_negative_mining(cls_loss, pos):
    # cls_loss: [N, A]; pos: bool [N, A]
    masked = cls_loss * (pos.astype(jnp.float32) - 1.0)
    idx = jnp.argsort(masked, axis=1)
    rank = jnp.argsort(idx, axis=1)
    num_neg = 3 * jnp.sum(pos.astype(jnp.int32), axis=1)
    neg = rank < num_neg[:, None]
    return neg

def reference(loc_preds, loc_targets, cls_preds, cls_targets):
    pos = cls_targets > 0
    batch_size = pos.shape[0]
    num_pos = jnp.sum(pos).astype(jnp.float32)
    # masked smooth-L1 sum over positive anchors (equivalent to loc_preds[mask] gather + sum)
    mask = pos[:, :, None].astype(jnp.float32)
    loc_loss = jnp.sum(_smooth_l1(loc_preds, loc_targets) * mask)
    # per-anchor cross entropy
    num_classes = cls_preds.shape[-1]
    logp = jax.nn.log_softmax(cls_preds.reshape(-1, num_classes), axis=-1)
    tgt = cls_targets.reshape(-1)
    ce = -jnp.take_along_axis(logp, jnp.clip(tgt, 0, num_classes - 1)[:, None], axis=1)[:, 0]
    ce = ce.reshape(batch_size, -1)
    ce = jnp.where(cls_targets < 0, 0.0, ce)
    neg = _hard_negative_mining(ce, pos)
    cls_loss = jnp.sum(jnp.where(pos | neg, ce, 0.0))
    return (loc_loss / num_pos, cls_loss / num_pos)

if __name__ == "__main__":
    import jax
    _d = setup_inputs()
    print(jax.jit(kernel)(*tuple(_d.values())))

</pallas_src>

<mosaic_0001>
#map = affine_map<(d0, d1) -> (0, 0)>
module attributes {stable_mosaic.version = 14 : i64} {
  func.func @_sc_mine_body(%arg0: i32, %arg1: i32, %arg2: memref<32x8736xf32, #tpu.memory_space<hbm>>, %arg3: memref<32x8736xi32, #tpu.memory_space<hbm>>, %arg4: memref<32x16xf32, #tpu.memory_space<hbm>>, %arg5: memref<32x16xf32, #tpu.memory_space<hbm>>, %arg6: memref<8736xf32, #tpu.memory_space<vmem>>, %arg7: memref<8736xi32, #tpu.memory_space<vmem>>, %arg8: memref<16xf32, #tpu.memory_space<vmem>>, %arg9: memref<16xf32, #tpu.memory_space<vmem>>) attributes {dimension_semantics = [#tpu.dimension_semantics<core_parallel>, #tpu.dimension_semantics<subcore_parallel>], iteration_bounds = array<i64: 2, 16>, scalar_prefetch = 0 : i64, scratch_operands = 4 : i64, tpu.core_type = #tpu.core_type<sc_vector_subcore>, window_params = [{transform_indices = #map}, {transform_indices = #map}, {transform_indices = #map}, {transform_indices = #map}]} {
    %mul3A = arith.constant 2 : i32
    %mul3A_0 = arith.muli %arg1, %mul3A : i32
    %add3A = arith.addi %mul3A_0, %arg0 : i32
    "tpu.region"() ({
      %run_scoped3A = tpu.sem_alloc : memref<!tpu.dma_semaphore, #tpu.memory_space<semaphore_mem>>
      %dma_start3A = arith.constant 0 : i32
      %dma_start3A_140 = tpu.memref_slice %arg2[%add3A, %dma_start3A] : memref<32x8736xf32, #tpu.memory_space<hbm>> -> memref<1x8736xf32, #tpu.memory_space<hbm>>
      %dma_start3A_141 = tpu.memref_squeeze %dma_start3A_140 : memref<1x8736xf32, #tpu.memory_space<hbm>> -> memref<8736xf32, #tpu.memory_space<hbm>>
      %dma_start3A_142 = arith.constant 0 : i32
      %dma_start3A_143 = tpu.memref_slice %arg2[%add3A, %dma_start3A_142] : memref<32x8736xf32, #tpu.memory_space<hbm>> -> memref<1x8736xf32, #tpu.memory_space<hbm>>
      %dma_start3A_144 = tpu.memref_squeeze %dma_start3A_143 : memref<1x8736xf32, #tpu.memory_space<hbm>> -> memref<8736xf32, #tpu.memory_space<hbm>>
      tpu.enqueue_dma source(%dma_start3A_144 : memref<8736xf32, #tpu.memory_space<hbm>>) target(%arg6 : memref<8736xf32, #tpu.memory_space<vmem>>) target_semaphore(%run_scoped3A : memref<!tpu.dma_semaphore, #tpu.memory_space<semaphore_mem>>)
      %dma_wait3A = arith.constant 0 : i32
      %dma_wait3A_145 = tpu.memref_slice %arg2[%add3A, %dma_wait3A] : memref<32x8736xf32, #tpu.memory_space<hbm>> -> memref<1x8736xf32, #tpu.memory_space<hbm>>
      %dma_wait3A_146 = tpu.memref_squeeze %dma_wait3A_145 : memref<1x8736xf32, #tpu.memory_space<hbm>> -> memref<8736xf32, #tpu.memory_space<hbm>>
      %dma_wait3A_147 = arith.constant 0 : i32
      %dma_wait3A_148 = tpu.memref_slice %arg2[%add3A, %dma_wait3A_147] : memref<32x8736xf32, #tpu.memory_space<hbm>> -> memref<1x8736xf32, #tpu.memory_space<hbm>>
      %dma_wait3A_149 = tpu.memref_squeeze %dma_wait3A_148 : memref<1x8736xf32, #tpu.memory_space<hbm>> -> memref<8736xf32, #tpu.memory_space<hbm>>
      tpu.wait_dma2 semaphore(%run_scoped3A : memref<!tpu.dma_semaphore, #tpu.memory_space<semaphore_mem>>) src(%dma_wait3A_149 : memref<8736xf32, #tpu.memory_space<hbm>>) dst(%arg6 : memref<8736xf32, #tpu.memory_space<vmem>>)
      tpu.yield
    }) : () -> ()
    "tpu.region"() ({
      %run_scoped3A = tpu.sem_alloc : memref<!tpu.dma_semaphore, #tpu.memory_space<semaphore_mem>>
      %dma_start3A = arith.constant 0 : i32
      %dma_start3A_140 = tpu.memref_slice %arg3[%add3A, %dma_start3A] : memref<32x8736xi32, #tpu.memory_space<hbm>> -> memref<1x8736xi32, #tpu.memory_space<hbm>>
      %dma_start3A_141 = tpu.memref_squeeze %dma_start3A_140 : memref<1x8736xi32, #tpu.memory_space<hbm>> -> memref<8736xi32, #tpu.memory_space<hbm>>
      %dma_start3A_142 = arith.constant 0 : i32
      %dma_start3A_143 = tpu.memref_slice %arg3[%add3A, %dma_start3A_142] : memref<32x8736xi32, #tpu.memory_space<hbm>> -> memref<1x8736xi32, #tpu.memory_space<hbm>>
      %dma_start3A_144 = tpu.memref_squeeze %dma_start3A_143 : memref<1x8736xi32, #tpu.memory_space<hbm>> -> memref<8736xi32, #tpu.memory_space<hbm>>
      tpu.enqueue_dma source(%dma_start3A_144 : memref<8736xi32, #tpu.memory_space<hbm>>) target(%arg7 : memref<8736xi32, #tpu.memory_space<vmem>>) target_semaphore(%run_scoped3A : memref<!tpu.dma_semaphore, #tpu.memory_space<semaphore_mem>>)
      %dma_wait3A = arith.constant 0 : i32
      %dma_wait3A_145 = tpu.memref_slice %arg3[%add3A, %dma_wait3A] : memref<32x8736xi32, #tpu.memory_space<hbm>> -> memref<1x8736xi32, #tpu.memory_space<hbm>>
      %dma_wait3A_146 = tpu.memref_squeeze %dma_wait3A_145 : memref<1x8736xi32, #tpu.memory_space<hbm>> -> memref<8736xi32, #tpu.memory_space<hbm>>
      %dma_wait3A_147 = arith.constant 0 : i32
      %dma_wait3A_148 = tpu.memref_slice %arg3[%add3A, %dma_wait3A_147] : memref<32x8736xi32, #tpu.memory_space<hbm>> -> memref<1x8736xi32, #tpu.memory_space<hbm>>
      %dma_wait3A_149 = tpu.memref_squeeze %dma_wait3A_148 : memref<1x8736xi32, #tpu.memory_space<hbm>> -> memref<8736xi32, #tpu.memory_space<hbm>>
      tpu.wait_dma2 semaphore(%run_scoped3A : memref<!tpu.dma_semaphore, #tpu.memory_space<semaphore_mem>>) src(%dma_wait3A_149 : memref<8736xi32, #tpu.memory_space<hbm>>) dst(%arg7 : memref<8736xi32, #tpu.memory_space<vmem>>)
      tpu.yield
    }) : () -> ()
    "tpu.region"() ({
      %run_scoped3A = tpu.sem_alloc : memref<!tpu.dma_semaphore, #tpu.memory_space<semaphore_mem>>
      %dma_start3A = arith.constant 0 : i32
      %dma_start3A_140 = tpu.memref_slice %arg4[%add3A, %dma_start3A] : memref<32x16xf32, #tpu.memory_space<hbm>> -> memref<1x16xf32, #tpu.memory_space<hbm>>
      %dma_start3A_141 = tpu.memref_squeeze %dma_start3A_140 : memref<1x16xf32, #tpu.memory_space<hbm>> -> memref<16xf32, #tpu.memory_space<hbm>>
      %dma_start3A_142 = arith.constant 0 : i32
      %dma_start3A_143 = tpu.memref_slice %arg4[%add3A, %dma_start3A_142] : memref<32x16xf32, #tpu.memory_space<hbm>> -> memref<1x16xf32, #tpu.memory_space<hbm>>
      %dma_start3A_144 = tpu.memref_squeeze %dma_start3A_143 : memref<1x16xf32, #tpu.memory_space<hbm>> -> memref<16xf32, #tpu.memory_space<hbm>>
      tpu.enqueue_dma source(%dma_start3A_144 : memref<16xf32, #tpu.memory_space<hbm>>) target(%arg8 : memref<16xf32, #tpu.memory_space<vmem>>) target_semaphore(%run_scoped3A : memref<!tpu.dma_semaphore, #tpu.memory_space<semaphore_mem>>)
      %dma_wait3A = arith.constant 0 : i32
      %dma_wait3A_145 = tpu.memref_slice %arg4[%add3A, %dma_wait3A] : memref<32x16xf32, #tpu.memory_space<hbm>> -> memref<1x16xf32, #tpu.memory_space<hbm>>
      %dma_wait3A_146 = tpu.memref_squeeze %dma_wait3A_145 : memref<1x16xf32, #tpu.memory_space<hbm>> -> memref<16xf32, #tpu.memory_space<hbm>>
      %dma_wait3A_147 = arith.constant 0 : i32
      %dma_wait3A_148 = tpu.memref_slice %arg4[%add3A, %dma_wait3A_147] : memref<32x16xf32, #tpu.memory_space<hbm>> -> memref<1x16xf32, #tpu.memory_space<hbm>>
      %dma_wait3A_149 = tpu.memref_squeeze %dma_wait3A_148 : memref<1x16xf32, #tpu.memory_space<hbm>> -> memref<16xf32, #tpu.memory_space<hbm>>
      tpu.wait_dma2 semaphore(%run_scoped3A : memref<!tpu.dma_semaphore, #tpu.memory_space<semaphore_mem>>) src(%dma_wait3A_149 : memref<16xf32, #tpu.memory_space<hbm>>) dst(%arg8 : memref<16xf32, #tpu.memory_space<vmem>>)
      tpu.yield
    }) : () -> ()
    %get3A = arith.constant 0 : index
    %get3A_1 = tpu.vector_load %arg8[%get3A] {strides = array<i32>} : memref<16xf32, #tpu.memory_space<vmem>>, vector<16xf32>,
    %get3A_2 = vector.shape_cast %get3A_1 : vector<16xf32> to vector<16xf32>
    %slice3A = vector.extract_strided_slice %get3A_2 {offsets = [0], sizes = [1], strides = [1]} : vector<16xf32> to vector<1xf32>
    %squeeze3A = vector.extract %slice3A[0] : f32 from vector<1xf32>
    %mul3A_3 = arith.constant 3.000000e+00 : f32
    %mul3A_4 = arith.mulf %mul3A_3, %squeeze3A : f32
    %sub3A = arith.constant 8.732000e+03 : f32
    %sub3A_5 = arith.subf %sub3A, %squeeze3A : f32
    %min3A = arith.minimumf %mul3A_4, %sub3A_5 : f32
    %broadcast_in_dim3A = arith.constant 0.000000e+00 : f32
    %broadcast_in_dim3A_6 = vector.broadcast %broadcast_in_dim3A : f32 to vector<16xf32>
    %broadcast_in_dim3A_7 = arith.constant 1.000000e+00 : f32
    %broadcast_in_dim3A_8 = vector.broadcast %broadcast_in_dim3A_7 : f32 to vector<16xf32>
    %scan3A = arith.constant 0 : i32
    %scan3A_9 = arith.constant 546 : i32
    %scan3A_10 = arith.addi %scan3A, %scan3A_9 : i32
    %scan3A_11 = arith.constant 1 : i32
    %scan3A_12:2 = scf.for %scan3A_140 = %scan3A to %scan3A_10 step %scan3A_11 iter_args(%scan3A_141 = %broadcast_in_dim3A_6, %scan3A_142 = %broadcast_in_dim3A_6) -> (vector<16xf32>, vector<16xf32>)  : i32 {
      %mul3A_143 = arith.constant 16 : i32
      %mul3A_144 = arith.muli %scan3A_140, %mul3A_143 : i32
      %get3A_145 = arith.index_cast %mul3A_144 : i32 to index
      %get3A_146 = tpu.vector_load %arg6[%get3A_145] {strides = array<i32>} : memref<8736xf32, #tpu.memory_space<vmem>>, vector<16xf32>,
      %get3A_147 = vector.shape_cast %get3A_146 : vector<16xf32> to vector<16xf32>
      %ge3A_148 = arith.constant 0.000000e+00 : f32
      %ge3A_149 = vector.broadcast %ge3A_148 : f32 to vector<16xf32>
      %ge3A_150 = arith.cmpf oge, %get3A_147, %ge3A_149 : vector<16xf32>
      %select_n3A_151 = arith.select %ge3A_150, %get3A_147, %broadcast_in_dim3A_6 : vector<16xi1>, vector<16xf32>
      %add3A_152 = arith.addf %scan3A_141, %select_n3A_151 : vector<16xf32>
      %select_n3A_153 = arith.select %ge3A_150, %broadcast_in_dim3A_8, %broadcast_in_dim3A_6 : vector<16xi1>, vector<16xf32>
      %add3A_154 = arith.addf %scan3A_142, %select_n3A_153 : vector<16xf32>
      scf.yield %add3A_152, %add3A_154 : vector<16xf32>, vector<16xf32>
    }
    %scan3A_13 = arith.constant 546 : i32
    %iota3A = tpu.iota {dimensions = array<i32: 0>} : vector<16xi32>
    %xor3A = arith.constant 1 : i32
    %xor3A_14 = vector.broadcast %xor3A : i32 to vector<16xi32>
    %xor3A_15 = arith.xori %iota3A, %xor3A_14 : vector<16xi32>
    %lt3A = arith.constant 0 : i32
    %lt3A_16 = vector.broadcast %lt3A : i32 to vector<16xi32>
    %lt3A_17 = arith.cmpi slt, %xor3A_15, %lt3A_16 : vector<16xi32>
    %add3A_18 = arith.constant 16 : i32
    %add3A_19 = vector.broadcast %add3A_18 : i32 to vector<16xi32>
    %add3A_20 = arith.addi %xor3A_15, %add3A_19 : vector<16xi32>
    %select_n3A = arith.select %lt3A_17, %add3A_20, %xor3A_15 : vector<16xi1>, vector<16xi32>
    %broadcast_in_dim3A_21 = vector.shape_cast %select_n3A : vector<16xi32> to vector<16x1xi32>
    %gather3A = vector.shape_cast %broadcast_in_dim3A_21 : vector<16x1xi32> to vector<16xi32>
    %gather3A_22 = tpu.dynamic_gather %scan3A_12#0[%gather3A] in [0] : vector<16xf32>, vector<16xi32> -> vector<16xf32>
    %add3A_23 = arith.addf %scan3A_12#0, %gather3A_22 : vector<16xf32>
    %iota3A_24 = tpu.iota {dimensions = array<i32: 0>} : vector<16xi32>
    %xor3A_25 = arith.constant 2 : i32
    %xor3A_26 = vector.broadcast %xor3A_25 : i32 to vector<16xi32>
    %xor3A_27 = arith.xori %iota3A_24, %xor3A_26 : vector<16xi32>
    %lt3A_28 = arith.constant 0 : i32
    %lt3A_29 = vector.broadcast %lt3A_28 : i32 to vector<16xi32>
    %lt3A_30 = arith.cmpi slt, %xor3A_27, %lt3A_29 : vector<16xi32>
    %add3A_31 = arith.constant 16 : i32
    %add3A_32 = vector.broadcast %add3A_31 : i32 to vector<16xi32>
    %add3A_33 = arith.addi %xor3A_27, %add3A_32 : vector<16xi32>
    %select_n3A_34 = arith.select %lt3A_30, %add3A_33, %xor3A_27 : vector<16xi1>, vector<16xi32>
    %broadcast_in_dim3A_35 = vector.shape_cast %select_n3A_34 : vector<16xi32> to vector<16x1xi32>
    %gather3A_36 = vector.shape_cast %broadcast_in_dim3A_35 : vector<16x1xi32> to vector<16xi32>
    %gather3A_37 = tpu.dynamic_gather %add3A_23[%gather3A_36] in [0] : vector<16xf32>, vector<16xi32> -> vector<16xf32>
    %add3A_38 = arith.addf %add3A_23, %gather3A_37 : vector<16xf32>
    %iota3A_39 = tpu.iota {dimensions = array<i32: 0>} : vector<16xi32>
    %xor3A_40 = arith.constant 4 : i32
    %xor3A_41 = vector.broadcast %xor3A_40 : i32 to vector<16xi32>
    %xor3A_42 = arith.xori %iota3A_39, %xor3A_41 : vector<16xi32>
    %lt3A_43 = arith.constant 0 : i32
    %lt3A_44 = vector.broadcast %lt3A_43 : i32 to vector<16xi32>
    %lt3A_45 = arith.cmpi slt, %xor3A_42, %lt3A_44 : vector<16xi32>
    %add3A_46 = arith.constant 16 : i32
    %add3A_47 = vector.broadcast %add3A_46 : i32 to vector<16xi32>
    %add3A_48 = arith.addi %xor3A_42, %add3A_47 : vector<16xi32>
    %select_n3A_49 = arith.select %lt3A_45, %add3A_48, %xor3A_42 : vector<16xi1>, vector<16xi32>
    %broadcast_in_dim3A_50 = vector.shape_cast %select_n3A_49 : vector<16xi32> to vector<16x1xi32>
    %gather3A_51 = vector.shape_cast %broadcast_in_dim3A_50 : vector<16x1xi32> to vector<16xi32>
    %gather3A_52 = tpu.dynamic_gather %add3A_38[%gather3A_51] in [0] : vector<16xf32>, vector<16xi32> -> vector<16xf32>
    %add3A_53 = arith.addf %add3A_38, %gather3A_52 : vector<16xf32>
    %iota3A_54 = tpu.iota {dimensions = array<i32: 0>} : vector<16xi32>
    %xor3A_55 = arith.constant 8 : i32
    %xor3A_56 = vector.broadcast %xor3A_55 : i32 to vector<16xi32>
    %xor3A_57 = arith.xori %iota3A_54, %xor3A_56 : vector<16xi32>
    %lt3A_58 = arith.constant 0 : i32
    %lt3A_59 = vector.broadcast %lt3A_58 : i32 to vector<16xi32>
    %lt3A_60 = arith.cmpi slt, %xor3A_57, %lt3A_59 : vector<16xi32>
    %add3A_61 = arith.constant 16 : i32
    %add3A_62 = vector.broadcast %add3A_61 : i32 to vector<16xi32>
    %add3A_63 = arith.addi %xor3A_57, %add3A_62 : vector<16xi32>
    %select_n3A_64 = arith.select %lt3A_60, %add3A_63, %xor3A_57 : vector<16xi1>, vector<16xi32>
    %broadcast_in_dim3A_65 = vector.shape_cast %select_n3A_64 : vector<16xi32> to vector<16x1xi32>
    %gather3A_66 = vector.shape_cast %broadcast_in_dim3A_65 : vector<16x1xi32> to vector<16xi32>
    %gather3A_67 = tpu.dynamic_gather %add3A_53[%gather3A_66] in [0] : vector<16xf32>, vector<16xi32> -> vector<16xf32>
    %add3A_68 = arith.addf %add3A_53, %gather3A_67 : vector<16xf32>
    %slice3A_69 = vector.extract_strided_slice %add3A_68 {offsets = [0], sizes = [1], strides = [1]} : vector<16xf32> to vector<1xf32>
    %squeeze3A_70 = vector.extract %slice3A_69[0] : f32 from vector<1xf32>
    %iota3A_71 = tpu.iota {dimensions = array<i32: 0>} : vector<16xi32>
    %xor3A_72 = arith.constant 1 : i32
    %xor3A_73 = vector.broadcast %xor3A_72 : i32 to vector<16xi32>
    %xor3A_74 = arith.xori %iota3A_71, %xor3A_73 : vector<16xi32>
    %lt3A_75 = arith.constant 0 : i32
    %lt3A_76 = vector.broadcast %lt3A_75 : i32 to vector<16xi32>
    %lt3A_77 = arith.cmpi slt, %xor3A_74, %lt3A_76 : vector<16xi32>
    %add3A_78 = arith.constant 16 : i32
    %add3A_79 = vector.broadcast %add3A_78 : i32 to vector<16xi32>
    %add3A_80 = arith.addi %xor3A_74, %add3A_79 : vector<16xi32>
    %select_n3A_81 = arith.select %lt3A_77, %add3A_80, %xor3A_74 : vector<16xi1>, vector<16xi32>
    %broadcast_in_dim3A_82 = vector.shape_cast %select_n3A_81 : vector<16xi32> to vector<16x1xi32>
    %gather3A_83 = vector.shape_cast %broadcast_in_dim3A_82 : vector<16x1xi32> to vector<16xi32>
    %gather3A_84 = tpu.dynamic_gather %scan3A_12#1[%gather3A_83] in [0] : vector<16xf32>, vector<16xi32> -> vector<16xf32>
    %add3A_85 = arith.addf %scan3A_12#1, %gather3A_84 : vector<16xf32>
    %iota3A_86 = tpu.iota {dimensions = array<i32: 0>} : vector<16xi32>
    %xor3A_87 = arith.constant 2 : i32
    %xor3A_88 = vector.broadcast %xor3A_87 : i32 to vector<16xi32>
    %xor3A_89 = arith.xori %iota3A_86, %xor3A_88 : vector<16xi32>
    %lt3A_90 = arith.constant 0 : i32
    %lt3A_91 = vector.broadcast %lt3A_90 : i32 to vector<16xi32>
    %lt3A_92 = arith.cmpi slt, %xor3A_89, %lt3A_91 : vector<16xi32>
    %add3A_93 = arith.constant 16 : i32
    %add3A_94 = vector.broadcast %add3A_93 : i32 to vector<16xi32>
    %add3A_95 = arith.addi %xor3A_89, %add3A_94 : vector<16xi32>
    %select_n3A_96 = arith.select %lt3A_92, %add3A_95, %xor3A_89 : vector<16xi1>, vector<16xi32>
    %broadcast_in_dim3A_97 = vector.shape_cast %select_n3A_96 : vector<16xi32> to vector<16x1xi32>
    %gather3A_98 = vector.shape_cast %broadcast_in_dim3A_97 : vector<16x1xi32> to vector<16xi32>
    %gather3A_99 = tpu.dynamic_gather %add3A_85[%gather3A_98] in [0] : vector<16xf32>, vector<16xi32> -> vector<16xf32>
    %add3A_100 = arith.addf %add3A_85, %gather3A_99 : vector<16xf32>
    %iota3A_101 = tpu.iota {dimensions = array<i32: 0>} : vector<16xi32>
    %xor3A_102 = arith.constant 4 : i32
    %xor3A_103 = vector.broadcast %xor3A_102 : i32 to vector<16xi32>
    %xor3A_104 = arith.xori %iota3A_101, %xor3A_103 : vector<16xi32>
    %lt3A_105 = arith.constant 0 : i32
    %lt3A_106 = vector.broadcast %lt3A_105 : i32 to vector<16xi32>
    %lt3A_107 = arith.cmpi slt, %xor3A_104, %lt3A_106 : vector<16xi32>
    %add3A_108 = arith.constant 16 : i32
    %add3A_109 = vector.broadcast %add3A_108 : i32 to vector<16xi32>
    %add3A_110 = arith.addi %xor3A_104, %add3A_109 : vector<16xi32>
    %select_n3A_111 = arith.select %lt3A_107, %add3A_110, %xor3A_104 : vector<16xi1>, vector<16xi32>
    %broadcast_in_dim3A_112 = vector.shape_cast %select_n3A_111 : vector<16xi32> to vector<16x1xi32>
    %gather3A_113 = vector.shape_cast %broadcast_in_dim3A_112 : vector<16x1xi32> to vector<16xi32>
    %gather3A_114 = tpu.dynamic_gather %add3A_100[%gather3A_113] in [0] : vector<16xf32>, vector<16xi32> -> vector<16xf32>
    %add3A_115 = arith.addf %add3A_100, %gather3A_114 : vector<16xf32>
    %iota3A_116 = tpu.iota {dimensions = array<i32: 0>} : vector<16xi32>
    %xor3A_117 = arith.constant 8 : i32
    %xor3A_118 = vector.broadcast %xor3A_117 : i32 to vector<16xi32>
    %xor3A_119 = arith.xori %iota3A_116, %xor3A_118 : vector<16xi32>
    %lt3A_120 = arith.constant 0 : i32
    %lt3A_121 = vector.broadcast %lt3A_120 : i32 to vector<16xi32>
    %lt3A_122 = arith.cmpi slt, %xor3A_119, %lt3A_121 : vector<16xi32>
    %add3A_123 = arith.constant 16 : i32
    %add3A_124 = vector.broadcast %add3A_123 : i32 to vector<16xi32>
    %add3A_125 = arith.addi %xor3A_119, %add3A_124 : vector<16xi32>
    %select_n3A_126 = arith.select %lt3A_122, %add3A_125, %xor3A_119 : vector<16xi1>, vector<16xi32>
    %broadcast_in_dim3A_127 = vector.shape_cast %select_n3A_126 : vector<16xi32> to vector<16x1xi32>
    %gather3A_128 = vector.shape_cast %broadcast_in_dim3A_127 : vector<16x1xi32> to vector<16xi32>
    %gather3A_129 = tpu.dynamic_gather %add3A_115[%gather3A_128] in [0] : vector<16xf32>, vector<16xi32> -> vector<16xf32>
    %add3A_130 = arith.addf %add3A_115, %gather3A_129 : vector<16xf32>
    %slice3A_131 = vector.extract_strided_slice %add3A_130 {offsets = [0], sizes = [1], strides = [1]} : vector<16xf32> to vector<1xf32>
    %squeeze3A_132 = vector.extract %slice3A_131[0] : f32 from vector<1xf32>
    %ge3A = arith.cmpf oge, %min3A, %squeeze3A_132 : f32
    %convert_element_type3A = arith.extui %ge3A : i1 to i32
    %cond3A = arith.constant 0 : i32
    %cond3A_133 = arith.constant 0 : i32
    %cond3A_134 = arith.cmpi ne, %convert_element_type3A, %cond3A_133 : i32
    %cond3A_135 = scf.if %cond3A_134 -> (f32) {
      scf.yield %squeeze3A_70 : f32
    } else {
      %scan3A_140 = arith.constant 0 : i32
      %scan3A_141 = arith.constant 0 : i32
      %scan3A_142 = arith.constant 31 : i32
      %scan3A_143 = arith.addi %scan3A_141, %scan3A_142 : i32
      %scan3A_144 = arith.constant 1 : i32
      %scan3A_145 = scf.for %scan3A_343 = %scan3A_141 to %scan3A_143 step %scan3A_144 iter_args(%scan3A_344 = %scan3A_140) -> (i32)  : i32 {
        %sub3A_345 = arith.constant 30 : i32
        %sub3A_346 = arith.subi %sub3A_345, %scan3A_343 : i32
        %shift_left3A = arith.constant 1 : i32
        %shift_left3A_347 = arith.shli %shift_left3A, %sub3A_346 : i32
        %or3A = arith.ori %scan3A_344, %shift_left3A_347 : i32
        %scan3A_348 = arith.constant 0 : i32
        %scan3A_349 = arith.constant 546 : i32
        %scan3A_350 = arith.addi %scan3A_348, %scan3A_349 : i32
        %scan3A_351 = arith.constant 1 : i32
        %scan3A_352 = scf.for %scan3A_418 = %scan3A_348 to %scan3A_350 step %scan3A_351 iter_args(%scan3A_419 = %broadcast_in_dim3A_6) -> (vector<16xf32>)  : i32 {
          %mul3A_420 = arith.constant 16 : i32
          %mul3A_421 = arith.muli %scan3A_418, %mul3A_420 : i32
          %get3A_422 = arith.index_cast %mul3A_421 : i32 to index
          %get3A_423 = tpu.vector_load %arg7[%get3A_422] {strides = array<i32>} : memref<8736xi32, #tpu.memory_space<vmem>>, vector<16xi32>,
          %get3A_424 = vector.shape_cast %get3A_423 : vector<16xi32> to vector<16xi32>
          %ge3A_425 = vector.broadcast %or3A : i32 to vector<16xi32>
          %ge3A_426 = arith.cmpi sge, %get3A_424, %ge3A_425 : vector<16xi32>
          %select_n3A_427 = arith.select %ge3A_426, %broadcast_in_dim3A_8, %broadcast_in_dim3A_6 : vector<16xi1>, vector<16xf32>
          %add3A_428 = arith.addf %scan3A_419, %select_n3A_427 : vector<16xf32>
          scf.yield %add3A_428 : vector<16xf32>
        }
        %scan3A_353 = arith.constant 546 : i32
        %iota3A_354 = tpu.iota {dimensions = array<i32: 0>} : vector<16xi32>
        %xor3A_355 = arith.constant 1 : i32
        %xor3A_356 = vector.broadcast %xor3A_355 : i32 to vector<16xi32>
        %xor3A_357 = arith.xori %iota3A_354, %xor3A_356 : vector<16xi32>
        %lt3A_358 = arith.constant 0 : i32
        %lt3A_359 = vector.broadcast %lt3A_358 : i32 to vector<16xi32>
        %lt3A_360 = arith.cmpi slt, %xor3A_357, %lt3A_359 : vector<16xi32>
        %add3A_361 = arith.constant 16 : i32
        %add3A_362 = vector.broadcast %add3A_361 : i32 to vector<16xi32>
        %add3A_363 = arith.addi %xor3A_357, %add3A_362 : vector<16xi32>
        %select_n3A_364 = arith.select %lt3A_360, %add3A_363, %xor3A_357 : vector<16xi1>, vector<16xi32>
        %broadcast_in_dim3A_365 = vector.shape_cast %select_n3A_364 : vector<16xi32> to vector<16x1xi32>
        %gather3A_366 = vector.shape_cast %broadcast_in_dim3A_365 : vector<16x1xi32> to vector<16xi32>
        %gather3A_367 = tpu.dynamic_gather %scan3A_352[%gather3A_366] in [0] : vector<16xf32>, vector<16xi32> -> vector<16xf32>
        %add3A_368 = arith.addf %scan3A_352, %gather3A_367 : vector<16xf32>
        %iota3A_369 = tpu.iota {dimensions = array<i32: 0>} : vector<16xi32>
        %xor3A_370 = arith.constant 2 : i32
        %xor3A_371 = vector.broadcast %xor3A_370 : i32 to vector<16xi32>
        %xor3A_372 = arith.xori %iota3A_369, %xor3A_371 : vector<16xi32>
        %lt3A_373 = arith.constant 0 : i32
        %lt3A_374 = vector.broadcast %lt3A_373 : i32 to vector<16xi32>
        %lt3A_375 = arith.cmpi slt, %xor3A_372, %lt3A_374 : vector<16xi32>
        %add3A_376 = arith.constant 16 : i32
        %add3A_377 = vector.broadcast %add3A_376 : i32 to vector<16xi32>
        %add3A_378 = arith.addi %xor3A_372, %add3A_377 : vector<16xi32>
        %select_n3A_379 = arith.select %lt3A_375, %add3A_378, %xor3A_372 : vector<16xi1>, vector<16xi32>
        %broadcast_in_dim3A_380 = vector.shape_cast %select_n3A_379 : vector<16xi32> to vector<16x1xi32>
        %gather3A_381 = vector.shape_cast %broadcast_in_dim3A_380 : vector<16x1xi32> to vector<16xi32>
        %gather3A_382 = tpu.dynamic_gather %add3A_368[%gather3A_381] in [0] : vector<16xf32>, vector<16xi32> -> vector<16xf32>
        %add3A_383 = arith.addf %add3A_368, %gather3A_382 : vector<16xf32>
        %iota3A_384 = tpu.iota {dimensions = array<i32: 0>} : vector<16xi32>
        %xor3A_385 = arith.constant 4 : i32
        %xor3A_386 = vector.broadcast %xor3A_385 : i32 to vector<16xi32>
        %xor3A_387 = arith.xori %iota3A_384, %xor3A_386 : vector<16xi32>
        %lt3A_388 = arith.constant 0 : i32
        %lt3A_389 = vector.broadcast %lt3A_388 : i32 to vector<16xi32>
        %lt3A_390 = arith.cmpi slt, %xor3A_387, %lt3A_389 : vector<16xi32>
        %add3A_391 = arith.constant 16 : i32
        %add3A_392 = vector.broadcast %add3A_391 : i32 to vector<16xi32>
        %add3A_393 = arith.addi %xor3A_387, %add3A_392 : vector<16xi32>
        %select_n3A_394 = arith.select %lt3A_390, %add3A_393, %xor3A_387 : vector<16xi1>, vector<16xi32>
        %broadcast_in_dim3A_395 = vector.shape_cast %select_n3A_394 : vector<16xi32> to vector<16x1xi32>
        %gather3A_396 = vector.shape_cast %broadcast_in_dim3A_395 : vector<16x1xi32> to vector<16xi32>
        %gather3A_397 = tpu.dynamic_gather %add3A_383[%gather3A_396] in [0] : vector<16xf32>, vector<16xi32> -> vector<16xf32>
        %add3A_398 = arith.addf %add3A_383, %gather3A_397 : vector<16xf32>
        %iota3A_399 = tpu.iota {dimensions = array<i32: 0>} : vector<16xi32>
        %xor3A_400 = arith.constant 8 : i32
        %xor3A_401 = vector.broadcast %xor3A_400 : i32 to vector<16xi32>
        %xor3A_402 = arith.xori %iota3A_399, %xor3A_401 : vector<16xi32>
        %lt3A_403 = arith.constant 0 : i32
        %lt3A_404 = vector.broadcast %lt3A_403 : i32 to vector<16xi32>
        %lt3A_405 = arith.cmpi slt, %xor3A_402, %lt3A_404 : vector<16xi32>
        %add3A_406 = arith.constant 16 : i32
        %add3A_407 = vector.broadcast %add3A_406 : i32 to vector<16xi32>
        %add3A_408 = arith.addi %xor3A_402, %add3A_407 : vector<16xi32>
        %select_n3A_409 = arith.select %lt3A_405, %add3A_408, %xor3A_402 : vector<16xi1>, vector<16xi32>
        %broadcast_in_dim3A_410 = vector.shape_cast %select_n3A_409 : vector<16xi32> to vector<16x1xi32>
        %gather3A_411 = vector.shape_cast %broadcast_in_dim3A_410 : vector<16x1xi32> to vector<16xi32>
        %gather3A_412 = tpu.dynamic_gather %add3A_398[%gather3A_411] in [0] : vector<16xf32>, vector<16xi32> -> vector<16xf32>
        %add3A_413 = arith.addf %add3A_398, %gather3A_412 : vector<16xf32>
        %slice3A_414 = vector.extract_strided_slice %add3A_413 {offsets = [0], sizes = [1], strides = [1]} : vector<16xf32> to vector<1xf32>
        %squeeze3A_415 = vector.extract %slice3A_414[0] : f32 from vector<1xf32>
        %ge3A_416 = arith.cmpf oge, %squeeze3A_415, %min3A : f32
        %select_n3A_417 = arith.select %ge3A_416, %or3A, %scan3A_344 : i32
        scf.yield %select_n3A_417 : i32
      }
      %scan3A_146 = arith.constant 31 : i32
      %scan3A_147 = arith.constant 0 : i32
      %scan3A_148 = arith.constant 546 : i32
      %scan3A_149 = arith.addi %scan3A_147, %scan3A_148 : i32
      %scan3A_150 = arith.constant 1 : i32
      %scan3A_151:3 = scf.for %scan3A_343 = %scan3A_147 to %scan3A_149 step %scan3A_150 iter_args(%scan3A_344 = %broadcast_in_dim3A_6, %scan3A_345 = %broadcast_in_dim3A_6, %scan3A_346 = %broadcast_in_dim3A_6) -> (vector<16xf32>, vector<16xf32>, vector<16xf32>)  : i32 {
        %mul3A_347 = arith.constant 16 : i32
        %mul3A_348 = arith.muli %scan3A_343, %mul3A_347 : i32
        %get3A_349 = arith.index_cast %mul3A_348 : i32 to index
        %get3A_350 = tpu.vector_load %arg6[%get3A_349] {strides = array<i32>} : memref<8736xf32, #tpu.memory_space<vmem>>, vector<16xf32>,
        %get3A_351 = vector.shape_cast %get3A_350 : vector<16xf32> to vector<16xf32>
        %mul3A_352 = arith.constant 16 : i32
        %mul3A_353 = arith.muli %scan3A_343, %mul3A_352 : i32
        %get3A_354 = arith.index_cast %mul3A_353 : i32 to index
        %get3A_355 = tpu.vector_load %arg7[%get3A_354] {strides = array<i32>} : memref<8736xi32, #tpu.memory_space<vmem>>, vector<16xi32>,
        %get3A_356 = vector.shape_cast %get3A_355 : vector<16xi32> to vector<16xi32>
        %gt3A = vector.broadcast %scan3A_145 : i32 to vector<16xi32>
        %gt3A_357 = arith.cmpi sgt, %get3A_356, %gt3A : vector<16xi32>
        %select_n3A_358 = arith.select %gt3A_357, %get3A_351, %broadcast_in_dim3A_6 : vector<16xi1>, vector<16xf32>
        %add3A_359 = arith.addf %scan3A_344, %select_n3A_358 : vector<16xf32>
        %select_n3A_360 = arith.select %gt3A_357, %broadcast_in_dim3A_8, %broadcast_in_dim3A_6 : vector<16xi1>, vector<16xf32>
        %add3A_361 = arith.addf %scan3A_345, %select_n3A_360 : vector<16xf32>
        %eq3A = vector.broadcast %scan3A_145 : i32 to vector<16xi32>
        %eq3A_362 = arith.cmpi eq, %get3A_356, %eq3A : vector<16xi32>
        %select_n3A_363 = arith.select %eq3A_362, %get3A_351, %scan3A_346 : vector<16xi1>, vector<16xf32>
        scf.yield %add3A_359, %add3A_361, %select_n3A_363 : vector<16xf32>, vector<16xf32>, vector<16xf32>
      }
      %scan3A_152 = arith.constant 546 : i32
      %iota3A_153 = tpu.iota {dimensions = array<i32: 0>} : vector<16xi32>
      %xor3A_154 = arith.constant 1 : i32
      %xor3A_155 = vector.broadcast %xor3A_154 : i32 to vector<16xi32>
      %xor3A_156 = arith.xori %iota3A_153, %xor3A_155 : vector<16xi32>
      %lt3A_157 = arith.constant 0 : i32
      %lt3A_158 = vector.broadcast %lt3A_157 : i32 to vector<16xi32>
      %lt3A_159 = arith.cmpi slt, %xor3A_156, %lt3A_158 : vector<16xi32>
      %add3A_160 = arith.constant 16 : i32
      %add3A_161 = vector.broadcast %add3A_160 : i32 to vector<16xi32>
      %add3A_162 = arith.addi %xor3A_156, %add3A_161 : vector<16xi32>
      %select_n3A_163 = arith.select %lt3A_159, %add3A_162, %xor3A_156 : vector<16xi1>, vector<16xi32>
      %broadcast_in_dim3A_164 = vector.shape_cast %select_n3A_163 : vector<16xi32> to vector<16x1xi32>
      %gather3A_165 = vector.shape_cast %broadcast_in_dim3A_164 : vector<16x1xi32> to vector<16xi32>
      %gather3A_166 = tpu.dynamic_gather %scan3A_151#0[%gather3A_165] in [0] : vector<16xf32>, vector<16xi32> -> vector<16xf32>
      %add3A_167 = arith.addf %scan3A_151#0, %gather3A_166 : vector<16xf32>
      %iota3A_168 = tpu.iota {dimensions = array<i32: 0>} : vector<16xi32>
      %xor3A_169 = arith.constant 2 : i32
      %xor3A_170 = vector.broadcast %xor3A_169 : i32 to vector<16xi32>
      %xor3A_171 = arith.xori %iota3A_168, %xor3A_170 : vector<16xi32>
      %lt3A_172 = arith.constant 0 : i32
      %lt3A_173 = vector.broadcast %lt3A_172 : i32 to vector<16xi32>
      %lt3A_174 = arith.cmpi slt, %xor3A_171, %lt3A_173 : vector<16xi32>
      %add3A_175 = arith.constant 16 : i32
      %add3A_176 = vector.broadcast %add3A_175 : i32 to vector<16xi32>
      %add3A_177 = arith.addi %xor3A_171, %add3A_176 : vector<16xi32>
      %select_n3A_178 = arith.select %lt3A_174, %add3A_177, %xor3A_171 : vector<16xi1>, vector<16xi32>
      %broadcast_in_dim3A_179 = vector.shape_cast %select_n3A_178 : vector<16xi32> to vector<16x1xi32>
      %gather3A_180 = vector.shape_cast %broadcast_in_dim3A_179 : vector<16x1xi32> to vector<16xi32>
      %gather3A_181 = tpu.dynamic_gather %add3A_167[%gather3A_180] in [0] : vector<16xf32>, vector<16xi32> -> vector<16xf32>
      %add3A_182 = arith.addf %add3A_167, %gather3A_181 : vector<16xf32>
      %iota3A_183 = tpu.iota {dimensions = array<i32: 0>} : vector<16xi32>
      %xor3A_184 = arith.constant 4 : i32
      %xor3A_185 = vector.broadcast %xor3A_184 : i32 to vector<16xi32>
      %xor3A_186 = arith.xori %iota3A_183, %xor3A_185 : vector<16xi32>
      %lt3A_187 = arith.constant 0 : i32
      %lt3A_188 = vector.broadcast %lt3A_187 : i32 to vector<16xi32>
      %lt3A_189 = arith.cmpi slt, %xor3A_186, %lt3A_188 : vector<16xi32>
      %add3A_190 = arith.constant 16 : i32
      %add3A_191 = vector.broadcast %add3A_190 : i32 to vector<16xi32>
      %add3A_192 = arith.addi %xor3A_186, %add3A_191 : vector<16xi32>
      %select_n3A_193 = arith.select %lt3A_189, %add3A_192, %xor3A_186 : vector<16xi1>, vector<16xi32>
      %broadcast_in_dim3A_194 = vector.shape_cast %select_n3A_193 : vector<16xi32> to vector<16x1xi32>
      %gather3A_195 = vector.shape_cast %broadcast_in_dim3A_194 : vector<16x1xi32> to vector<16xi32>
      %gather3A_196 = tpu.dynamic_gather %add3A_182[%gather3A_195] in [0] : vector<16xf32>, vector<16xi32> -> vector<16xf32>
      %add3A_197 = arith.addf %add3A_182, %gather3A_196 : vector<16xf32>
      %iota3A_198 = tpu.iota {dimensions = array<i32: 0>} : vector<16xi32>
      %xor3A_199 = arith.constant 8 : i32
      %xor3A_200 = vector.broadcast %xor3A_199 : i32 to vector<16xi32>
      %xor3A_201 = arith.xori %iota3A_198, %xor3A_200 : vector<16xi32>
      %lt3A_202 = arith.constant 0 : i32
      %lt3A_203 = vector.broadcast %lt3A_202 : i32 to vector<16xi32>
      %lt3A_204 = arith.cmpi slt, %xor3A_201, %lt3A_203 : vector<16xi32>
      %add3A_205 = arith.constant 16 : i32
      %add3A_206 = vector.broadcast %add3A_205 : i32 to vector<16xi32>
      %add3A_207 = arith.addi %xor3A_201, %add3A_206 : vector<16xi32>
      %select_n3A_208 = arith.select %lt3A_204, %add3A_207, %xor3A_201 : vector<16xi1>, vector<16xi32>
      %broadcast_in_dim3A_209 = vector.shape_cast %select_n3A_208 : vector<16xi32> to vector<16x1xi32>
      %gather3A_210 = vector.shape_cast %broadcast_in_dim3A_209 : vector<16x1xi32> to vector<16xi32>
      %gather3A_211 = tpu.dynamic_gather %add3A_197[%gather3A_210] in [0] : vector<16xf32>, vector<16xi32> -> vector<16xf32>
      %add3A_212 = arith.addf %add3A_197, %gather3A_211 : vector<16xf32>
      %slice3A_213 = vector.extract_strided_slice %add3A_212 {offsets = [0], sizes = [1], strides = [1]} : vector<16xf32> to vector<1xf32>
      %squeeze3A_214 = vector.extract %slice3A_213[0] : f32 from vector<1xf32>
      %iota3A_215 = tpu.iota {dimensions = array<i32: 0>} : vector<16xi32>
      %xor3A_216 = arith.constant 1 : i32
      %xor3A_217 = vector.broadcast %xor3A_216 : i32 to vector<16xi32>
      %xor3A_218 = arith.xori %iota3A_215, %xor3A_217 : vector<16xi32>
      %lt3A_219 = arith.constant 0 : i32
      %lt3A_220 = vector.broadcast %lt3A_219 : i32 to vector<16xi32>
      %lt3A_221 = arith.cmpi slt, %xor3A_218, %lt3A_220 : vector<16xi32>
      %add3A_222 = arith.constant 16 : i32
      %add3A_223 = vector.broadcast %add3A_222 : i32 to vector<16xi32>
      %add3A_224 = arith.addi %xor3A_218, %add3A_223 : vector<16xi32>
      %select_n3A_225 = arith.select %lt3A_221, %add3A_224, %xor3A_218 : vector<16xi1>, vector<16xi32>
      %broadcast_in_dim3A_226 = vector.shape_cast %select_n3A_225 : vector<16xi32> to vector<16x1xi32>
      %gather3A_227 = vector.shape_cast %broadcast_in_dim3A_226 : vector<16x1xi32> to vector<16xi32>
      %gather3A_228 = tpu.dynamic_gather %scan3A_151#1[%gather3A_227] in [0] : vector<16xf32>, vector<16xi32> -> vector<16xf32>
      %add3A_229 = arith.addf %scan3A_151#1, %gather3A_228 : vector<16xf32>
      %iota3A_230 = tpu.iota {dimensions = array<i32: 0>} : vector<16xi32>
      %xor3A_231 = arith.constant 2 : i32
      %xor3A_232 = vector.broadcast %xor3A_231 : i32 to vector<16xi32>
      %xor3A_233 = arith.xori %iota3A_230, %xor3A_232 : vector<16xi32>
      %lt3A_234 = arith.constant 0 : i32
      %lt3A_235 = vector.broadcast %lt3A_234 : i32 to vector<16xi32>
      %lt3A_236 = arith.cmpi slt, %xor3A_233, %lt3A_235 : vector<16xi32>
      %add3A_237 = arith.constant 16 : i32
      %add3A_238 = vector.broadcast %add3A_237 : i32 to vector<16xi32>
      %add3A_239 = arith.addi %xor3A_233, %add3A_238 : vector<16xi32>
      %select_n3A_240 = arith.select %lt3A_236, %add3A_239, %xor3A_233 : vector<16xi1>, vector<16xi32>
      %broadcast_in_dim3A_241 = vector.shape_cast %select_n3A_240 : vector<16xi32> to vector<16x1xi32>
      %gather3A_242 = vector.shape_cast %broadcast_in_dim3A_241 : vector<16x1xi32> to vector<16xi32>
      %gather3A_243 = tpu.dynamic_gather %add3A_229[%gather3A_242] in [0] : vector<16xf32>, vector<16xi32> -> vector<16xf32>
      %add3A_244 = arith.addf %add3A_229, %gather3A_243 : vector<16xf32>
      %iota3A_245 = tpu.iota {dimensions = array<i32: 0>} : vector<16xi32>
      %xor3A_246 = arith.constant 4 : i32
      %xor3A_247 = vector.broadcast %xor3A_246 : i32 to vector<16xi32>
      %xor3A_248 = arith.xori %iota3A_245, %xor3A_247 : vector<16xi32>
      %lt3A_249 = arith.constant 0 : i32
      %lt3A_250 = vector.broadcast %lt3A_249 : i32 to vector<16xi32>
      %lt3A_251 = arith.cmpi slt, %xor3A_248, %lt3A_250 : vector<16xi32>
      %add3A_252 = arith.constant 16 : i32
      %add3A_253 = vector.broadcast %add3A_252 : i32 to vector<16xi32>
      %add3A_254 = arith.addi %xor3A_248, %add3A_253 : vector<16xi32>
      %select_n3A_255 = arith.select %lt3A_251, %add3A_254, %xor3A_248 : vector<16xi1>, vector<16xi32>
      %broadcast_in_dim3A_256 = vector.shape_cast %select_n3A_255 : vector<16xi32> to vector<16x1xi32>
      %gather3A_257 = vector.shape_cast %broadcast_in_dim3A_256 : vector<16x1xi32> to vector<16xi32>
      %gather3A_258 = tpu.dynamic_gather %add3A_244[%gather3A_257] in [0] : vector<16xf32>, vector<16xi32> -> vector<16xf32>
      %add3A_259 = arith.addf %add3A_244, %gather3A_258 : vector<16xf32>
      %iota3A_260 = tpu.iota {dimensions = array<i32: 0>} : vector<16xi32>
      %xor3A_261 = arith.constant 8 : i32
      %xor3A_262 = vector.broadcast %xor3A_261 : i32 to vector<16xi32>
      %xor3A_263 = arith.xori %iota3A_260, %xor3A_262 : vector<16xi32>
      %lt3A_264 = arith.constant 0 : i32
      %lt3A_265 = vector.broadcast %lt3A_264 : i32 to vector<16xi32>
      %lt3A_266 = arith.cmpi slt, %xor3A_263, %lt3A_265 : vector<16xi32>
      %add3A_267 = arith.constant 16 : i32
      %add3A_268 = vector.broadcast %add3A_267 : i32 to vector<16xi32>
      %add3A_269 = arith.addi %xor3A_263, %add3A_268 : vector<16xi32>
      %select_n3A_270 = arith.select %lt3A_266, %add3A_269, %xor3A_263 : vector<16xi1>, vector<16xi32>
      %broadcast_in_dim3A_271 = vector.shape_cast %select_n3A_270 : vector<16xi32> to vector<16x1xi32>
      %gather3A_272 = vector.shape_cast %broadcast_in_dim3A_271 : vector<16x1xi32> to vector<16xi32>
      %gather3A_273 = tpu.dynamic_gather %add3A_259[%gather3A_272] in [0] : vector<16xf32>, vector<16xi32> -> vector<16xf32>
      %add3A_274 = arith.addf %add3A_259, %gather3A_273 : vector<16xf32>
      %slice3A_275 = vector.extract_strided_slice %add3A_274 {offsets = [0], sizes = [1], strides = [1]} : vector<16xf32> to vector<1xf32>
      %squeeze3A_276 = vector.extract %slice3A_275[0] : f32 from vector<1xf32>
      %iota3A_277 = tpu.iota {dimensions = array<i32: 0>} : vector<16xi32>
      %xor3A_278 = arith.constant 1 : i32
      %xor3A_279 = vector.broadcast %xor3A_278 : i32 to vector<16xi32>
      %xor3A_280 = arith.xori %iota3A_277, %xor3A_279 : vector<16xi32>
      %lt3A_281 = arith.constant 0 : i32
      %lt3A_282 = vector.broadcast %lt3A_281 : i32 to vector<16xi32>
      %lt3A_283 = arith.cmpi slt, %xor3A_280, %lt3A_282 : vector<16xi32>
      %add3A_284 = arith.constant 16 : i32
      %add3A_285 = vector.broadcast %add3A_284 : i32 to vector<16xi32>
      %add3A_286 = arith.addi %xor3A_280, %add3A_285 : vector<16xi32>
      %select_n3A_287 = arith.select %lt3A_283, %add3A_286, %xor3A_280 : vector<16xi1>, vector<16xi32>
      %broadcast_in_dim3A_288 = vector.shape_cast %select_n3A_287 : vector<16xi32> to vector<16x1xi32>
      %gather3A_289 = vector.shape_cast %broadcast_in_dim3A_288 : vector<16x1xi32> to vector<16xi32>
      %gather3A_290 = tpu.dynamic_gather %scan3A_151#2[%gather3A_289] in [0] : vector<16xf32>, vector<16xi32> -> vector<16xf32>
      %max3A = arith.maximumf %scan3A_151#2, %gather3A_290 : vector<16xf32>
      %iota3A_291 = tpu.iota {dimensions = array<i32: 0>} : vector<16xi32>
      %xor3A_292 = arith.constant 2 : i32
      %xor3A_293 = vector.broadcast %xor3A_292 : i32 to vector<16xi32>
      %xor3A_294 = arith.xori %iota3A_291, %xor3A_293 : vector<16xi32>
      %lt3A_295 = arith.constant 0 : i32
      %lt3A_296 = vector.broadcast %lt3A_295 : i32 to vector<16xi32>
      %lt3A_297 = arith.cmpi slt, %xor3A_294, %lt3A_296 : vector<16xi32>
      %add3A_298 = arith.constant 16 : i32
      %add3A_299 = vector.broadcast %add3A_298 : i32 to vector<16xi32>
      %add3A_300 = arith.addi %xor3A_294, %add3A_299 : vector<16xi32>
      %select_n3A_301 = arith.select %lt3A_297, %add3A_300, %xor3A_294 : vector<16xi1>, vector<16xi32>
      %broadcast_in_dim3A_302 = vector.shape_cast %select_n3A_301 : vector<16xi32> to vector<16x1xi32>
      %gather3A_303 = vector.shape_cast %broadcast_in_dim3A_302 : vector<16x1xi32> to vector<16xi32>
      %gather3A_304 = tpu.dynamic_gather %max3A[%gather3A_303] in [0] : vector<16xf32>, vector<16xi32> -> vector<16xf32>
      %max3A_305 = arith.maximumf %max3A, %gather3A_304 : vector<16xf32>
      %iota3A_306 = tpu.iota {dimensions = array<i32: 0>} : vector<16xi32>
      %xor3A_307 = arith.constant 4 : i32
      %xor3A_308 = vector.broadcast %xor3A_307 : i32 to vector<16xi32>
      %xor3A_309 = arith.xori %iota3A_306, %xor3A_308 : vector<16xi32>
      %lt3A_310 = arith.constant 0 : i32
      %lt3A_311 = vector.broadcast %lt3A_310 : i32 to vector<16xi32>
      %lt3A_312 = arith.cmpi slt, %xor3A_309, %lt3A_311 : vector<16xi32>
      %add3A_313 = arith.constant 16 : i32
      %add3A_314 = vector.broadcast %add3A_313 : i32 to vector<16xi32>
      %add3A_315 = arith.addi %xor3A_309, %add3A_314 : vector<16xi32>
      %select_n3A_316 = arith.select %lt3A_312, %add3A_315, %xor3A_309 : vector<16xi1>, vector<16xi32>
      %broadcast_in_dim3A_317 = vector.shape_cast %select_n3A_316 : vector<16xi32> to vector<16x1xi32>
      %gather3A_318 = vector.shape_cast %broadcast_in_dim3A_317 : vector<16x1xi32> to vector<16xi32>
      %gather3A_319 = tpu.dynamic_gather %max3A_305[%gather3A_318] in [0] : vector<16xf32>, vector<16xi32> -> vector<16xf32>
      %max3A_320 = arith.maximumf %max3A_305, %gather3A_319 : vector<16xf32>
      %iota3A_321 = tpu.iota {dimensions = array<i32: 0>} : vector<16xi32>
      %xor3A_322 = arith.constant 8 : i32
      %xor3A_323 = vector.broadcast %xor3A_322 : i32 to vector<16xi32>
      %xor3A_324 = arith.xori %iota3A_321, %xor3A_323 : vector<16xi32>
      %lt3A_325 = arith.constant 0 : i32
      %lt3A_326 = vector.broadcast %lt3A_325 : i32 to vector<16xi32>
      %lt3A_327 = arith.cmpi slt, %xor3A_324, %lt3A_326 : vector<16xi32>
      %add3A_328 = arith.constant 16 : i32
      %add3A_329 = vector.broadcast %add3A_328 : i32 to vector<16xi32>
      %add3A_330 = arith.addi %xor3A_324, %add3A_329 : vector<16xi32>
      %select_n3A_331 = arith.select %lt3A_327, %add3A_330, %xor3A_324 : vector<16xi1>, vector<16xi32>
      %broadcast_in_dim3A_332 = vector.shape_cast %select_n3A_331 : vector<16xi32> to vector<16x1xi32>
      %gather3A_333 = vector.shape_cast %broadcast_in_dim3A_332 : vector<16x1xi32> to vector<16xi32>
      %gather3A_334 = tpu.dynamic_gather %max3A_320[%gather3A_333] in [0] : vector<16xf32>, vector<16xi32> -> vector<16xf32>
      %max3A_335 = arith.maximumf %max3A_320, %gather3A_334 : vector<16xf32>
      %slice3A_336 = vector.extract_strided_slice %max3A_335 {offsets = [0], sizes = [1], strides = [1]} : vector<16xf32> to vector<1xf32>
      %squeeze3A_337 = vector.extract %slice3A_336[0] : f32 from vector<1xf32>
      %sub3A_338 = arith.subf %min3A, %squeeze3A_276 : f32
      %max3A_339 = arith.constant 0.000000e+00 : f32
      %max3A_340 = arith.maximumf %sub3A_338, %max3A_339 : f32
      %mul3A_341 = arith.mulf %max3A_340, %squeeze3A_337 : f32
      %add3A_342 = arith.addf %squeeze3A_214, %mul3A_341 : f32
      scf.yield %add3A_342 : f32
    }
    %broadcast_in_dim3A_136 = vector.broadcast %cond3A_135 : f32 to vector<16xf32>
    %swap3A = arith.constant 0 : index
    %swap3A_137 = tpu.vector_load %arg9[%swap3A] {strides = array<i32>} : memref<16xf32, #tpu.memory_space<vmem>>, vector<16xf32>,
    %swap3A_138 = vector.shape_cast %swap3A_137 : vector<16xf32> to vector<16xf32>
    %swap3A_139 = vector.shape_cast %broadcast_in_dim3A_136 : vector<16xf32> to vector<16xf32>
    tpu.vector_store %arg9[%swap3A], %swap3A_139 {strides = array<i32>} : memref<16xf32, #tpu.memory_space<vmem>>, vector<16xf32>,
    "tpu.region"() ({
      %run_scoped3A = tpu.sem_alloc : memref<!tpu.dma_semaphore, #tpu.memory_space<semaphore_mem>>
      %dma_start3A = arith.constant 0 : i32
      %dma_start3A_140 = tpu.memref_slice %arg5[%add3A, %dma_start3A] : memref<32x16xf32, #tpu.memory_space<hbm>> -> memref<1x16xf32, #tpu.memory_space<hbm>>
      %dma_start3A_141 = tpu.memref_squeeze %dma_start3A_140 : memref<1x16xf32, #tpu.memory_space<hbm>> -> memref<16xf32, #tpu.memory_space<hbm>>
      %dma_start3A_142 = arith.constant 0 : i32
      %dma_start3A_143 = tpu.memref_slice %arg5[%add3A, %dma_start3A_142] : memref<32x16xf32, #tpu.memory_space<hbm>> -> memref<1x16xf32, #tpu.memory_space<hbm>>
      %dma_start3A_144 = tpu.memref_squeeze %dma_start3A_143 : memref<1x16xf32, #tpu.memory_space<hbm>> -> memref<16xf32, #tpu.memory_space<hbm>>
      tpu.enqueue_dma source(%arg9 : memref<16xf32, #tpu.memory_space<vmem>>) target(%dma_start3A_144 : memref<16xf32, #tpu.memory_space<hbm>>) target_semaphore(%run_scoped3A : memref<!tpu.dma_semaphore, #tpu.memory_space<semaphore_mem>>)
      %dma_wait3A = arith.constant 0 : i32
      %dma_wait3A_145 = tpu.memref_slice %arg5[%add3A, %dma_wait3A] : memref<32x16xf32, #tpu.memory_space<hbm>> -> memref<1x16xf32, #tpu.memory_space<hbm>>
      %dma_wait3A_146 = tpu.memref_squeeze %dma_wait3A_145 : memref<1x16xf32, #tpu.memory_space<hbm>> -> memref<16xf32, #tpu.memory_space<hbm>>
      %dma_wait3A_147 = arith.constant 0 : i32
      %dma_wait3A_148 = tpu.memref_slice %arg5[%add3A, %dma_wait3A_147] : memref<32x16xf32, #tpu.memory_space<hbm>> -> memref<1x16xf32, #tpu.memory_space<hbm>>
      %dma_wait3A_149 = tpu.memref_squeeze %dma_wait3A_148 : memref<1x16xf32, #tpu.memory_space<hbm>> -> memref<16xf32, #tpu.memory_space<hbm>>
      tpu.wait_dma2 semaphore(%run_scoped3A : memref<!tpu.dma_semaphore, #tpu.memory_space<semaphore_mem>>) src(%arg9 : memref<16xf32, #tpu.memory_space<vmem>>) dst(%dma_wait3A_149 : memref<16xf32, #tpu.memory_space<hbm>>)
      tpu.yield
    }) : () -> ()
    return
  }
}

module attributes {stable_mosaic.version = 14 : i64} {
  func.func @_ce_loc_body(%arg0: i32, %arg1: memref<1x21x8732xf32, #tpu.memory_space<vmem>>, %arg2: memref<1x1x8732xi32, #tpu.memory_space<vmem>>, %arg3: memref<1x4x8732xf32, #tpu.memory_space<vmem>>, %arg4: memref<1x4x8732xf32, #tpu.memory_space<vmem>>, %arg5: memref<1x1x8736xf32, #tpu.memory_space<vmem>>, %arg6: memref<1x1x8736xi32, #tpu.memory_space<vmem>>, %arg7: memref<1x1x16xf32, #tpu.memory_space<vmem>>, %arg8: memref<32xi32, #tpu.memory_space<smem>>, %arg9: memref<1xf32, #tpu.memory_space<smem>>, %arg10: memref<1xf32, #tpu.memory_space<smem>>) attributes {dimension_semantics = [#tpu.dimension_semantics<arbitrary>], iteration_bounds = array<i64: 32>, scalar_prefetch = 0 : i64, scratch_operands = 0 : i64, tpu.core_type = #tpu.core_type<tc>, window_params = [{transform_indices = @transform_0, window_bounds = array<i64: 1, 21, 8732>}, {transform_indices = @transform_1, window_bounds = array<i64: 1, 1, 8732>}, {transform_indices = @transform_2, window_bounds = array<i64: 1, 4, 8732>}, {transform_indices = @transform_3, window_bounds = array<i64: 1, 4, 8732>}, {transform_indices = @transform_4, window_bounds = array<i64: 1, 1, 8736>}, {transform_indices = @transform_5, window_bounds = array<i64: 1, 1, 8736>}, {transform_indices = @transform_6, window_bounds = array<i64: 1, 1, 16>}, {transform_indices = @transform_7, window_bounds = array<i64: 32>}, {transform_indices = @transform_8, window_bounds = array<i64: 1>}, {transform_indices = @transform_9, window_bounds = array<i64: 1>}]} {
    %get3A = arith.constant 0 : index
    %get3A_0 = arith.constant 0 : index
    %get3A_1 = arith.constant 0 : index
    %get3A_2 = vector.load %arg1[%get3A, %get3A_0, %get3A_1] : memref<1x21x8732xf32, #tpu.memory_space<vmem>>, vector<1x21x8732xf32>
    %get3A_3 = vector.shape_cast %get3A_2 : vector<1x21x8732xf32> to vector<21x8732xf32>
    %get3A_4 = arith.constant 0 : index
    %get3A_5 = arith.constant 0 : index
    %get3A_6 = arith.constant 0 : index
    %get3A_7 = vector.load %arg2[%get3A_4, %get3A_5, %get3A_6] : memref<1x1x8732xi32, #tpu.memory_space<vmem>>, vector<1x1x8732xi32>
    %get3A_8 = vector.shape_cast %get3A_7 : vector<1x1x8732xi32> to vector<1x8732xi32>
    %get3A_9 = arith.constant 0 : index
    %get3A_10 = arith.constant 0 : index
    %get3A_11 = arith.constant 0 : index
    %get3A_12 = vector.load %arg3[%get3A_9, %get3A_10, %get3A_11] : memref<1x4x8732xf32, #tpu.memory_space<vmem>>, vector<1x4x8732xf32>
    %get3A_13 = vector.shape_cast %get3A_12 : vector<1x4x8732xf32> to vector<4x8732xf32>
    %get3A_14 = arith.constant 0 : index
    %get3A_15 = arith.constant 0 : index
    %get3A_16 = arith.constant 0 : index
    %get3A_17 = vector.load %arg4[%get3A_14, %get3A_15, %get3A_16] : memref<1x4x8732xf32, #tpu.memory_space<vmem>>, vector<1x4x8732xf32>
    %get3A_18 = vector.shape_cast %get3A_17 : vector<1x4x8732xf32> to vector<4x8732xf32>
    %iota3A = tpu.iota {dimensions = array<i32: 1>} : vector<1x8732xi32>
    %lt3A = arith.constant 8732 : i32
    %lt3A_19 = vector.broadcast %lt3A : i32 to vector<1x8732xi32>
    %lt3A_20 = arith.cmpi slt, %iota3A, %lt3A_19 : vector<1x8732xi32>
    %gt3A = arith.constant 0 : i32
    %gt3A_21 = vector.broadcast %gt3A : i32 to vector<1x8732xi32>
    %gt3A_22 = arith.cmpi sgt, %get3A_8, %gt3A_21 : vector<1x8732xi32>
    %and3A = arith.andi %gt3A_22, %lt3A_20 : vector<1x8732xi1>
    %reduce_max3A = arith.constant dense<0xFF800000> : vector<8732xf32>
    %reduce_max3A_23 = vector.multi_reduction <maximumf>, %get3A_3, %reduce_max3A [0] : vector<21x8732xf32> to vector<8732xf32>
    %broadcast_in_dim3A = vector.shape_cast %reduce_max3A_23 : vector<8732xf32> to vector<1x8732xf32>
    %sub3A = vector.broadcast %broadcast_in_dim3A : vector<1x8732xf32> to vector<21x8732xf32>
    %sub3A_24 = arith.subf %get3A_3, %sub3A : vector<21x8732xf32>
    %exp3A = math.exp %sub3A_24 : vector<21x8732xf32>
    %reduce_sum3A = arith.constant dense<0.000000e+00> : vector<8732xf32>
    %reduce_sum3A_25 = vector.multi_reduction <add>, %exp3A, %reduce_sum3A [0] : vector<21x8732xf32> to vector<8732xf32>
    %broadcast_in_dim3A_26 = vector.shape_cast %reduce_sum3A_25 : vector<8732xf32> to vector<1x8732xf32>
    %log3A = math.log %broadcast_in_dim3A_26 : vector<1x8732xf32>
    %add3A = arith.addf %broadcast_in_dim3A, %log3A : vector<1x8732xf32>
    %iota3A_27 = tpu.iota {dimensions = array<i32: 0>} : vector<21x8732xi32>
    %eq3A = vector.broadcast %get3A_8 : vector<1x8732xi32> to vector<21x8732xi32>
    %eq3A_28 = arith.cmpi eq, %iota3A_27, %eq3A : vector<21x8732xi32>
    %jit3A = arith.constant 0.000000e+00 : f32
    %broadcast_in_dim3A_29 = vector.broadcast %jit3A : f32 to vector<21x8732xf32>
    %select_n3A = arith.select %eq3A_28, %get3A_3, %broadcast_in_dim3A_29 : vector<21x8732xi1>, vector<21x8732xf32>
    %reduce_sum3A_30 = arith.constant dense<0.000000e+00> : vector<8732xf32>
    %reduce_sum3A_31 = vector.multi_reduction <add>, %select_n3A, %reduce_sum3A_30 [0] : vector<21x8732xf32> to vector<8732xf32>
    %broadcast_in_dim3A_32 = vector.shape_cast %reduce_sum3A_31 : vector<8732xf32> to vector<1x8732xf32>
    %sub3A_33 = arith.subf %add3A, %broadcast_in_dim3A_32 : vector<1x8732xf32>
    %eq3A_34 = arith.constant 0 : i32
    %eq3A_35 = vector.broadcast %eq3A_34 : i32 to vector<1x8732xi32>
    %eq3A_36 = arith.cmpi eq, %get3A_8, %eq3A_35 : vector<1x8732xi32>
    %and3A_37 = arith.andi %lt3A_20, %eq3A_36 : vector<1x8732xi1>
    %jit3A_38 = arith.constant -1.000000e+00 : f32
    %broadcast_in_dim3A_39 = vector.broadcast %jit3A_38 : f32 to vector<1x8732xf32>
    %select_n3A_40 = arith.select %and3A_37, %sub3A_33, %broadcast_in_dim3A_39 : vector<1x8732xi1>, vector<1x8732xf32>
    %broadcast_in_dim3A_41 = arith.constant -1.000000e+00 : f32
    %broadcast_in_dim3A_42 = vector.broadcast %broadcast_in_dim3A_41 : f32 to vector<1x4xf32>
    %concatenate3A = tpu.concatenate %select_n3A_40, %broadcast_in_dim3A_42 in 1 : vector<1x8732xf32>, vector<1x4xf32> -> vector<1x8736xf32>
    %swap3A = arith.constant 0 : index
    %swap3A_43 = arith.constant 0 : index
    %swap3A_44 = arith.constant 0 : index
    %swap3A_45 = vector.load %arg5[%swap3A, %swap3A_43, %swap3A_44] : memref<1x1x8736xf32, #tpu.memory_space<vmem>>, vector<1x1x8736xf32>
    %swap3A_46 = vector.shape_cast %swap3A_45 : vector<1x1x8736xf32> to vector<1x8736xf32>
    %swap3A_47 = vector.shape_cast %concatenate3A : vector<1x8736xf32> to vector<1x1x8736xf32>
    tpu.vector_store %arg5[%swap3A, %swap3A_43, %swap3A_44], %swap3A_47 {strides = array<i32>} : memref<1x1x8736xf32, #tpu.memory_space<vmem>>, vector<1x1x8736xf32>,
    %bitcast_convert_type3A = tpu.bitcast %concatenate3A : vector<1x8736xf32> -> vector<1x8736xi32>
    %swap3A_48 = arith.constant 0 : index
    %swap3A_49 = arith.constant 0 : index
    %swap3A_50 = arith.constant 0 : index
    %swap3A_51 = vector.load %arg6[%swap3A_48, %swap3A_49, %swap3A_50] : memref<1x1x8736xi32, #tpu.memory_space<vmem>>, vector<1x1x8736xi32>
    %swap3A_52 = vector.shape_cast %swap3A_51 : vector<1x1x8736xi32> to vector<1x8736xi32>
    %swap3A_53 = vector.shape_cast %bitcast_convert_type3A : vector<1x8736xi32> to vector<1x1x8736xi32>
    tpu.vector_store %arg6[%swap3A_48, %swap3A_49, %swap3A_50], %swap3A_53 {strides = array<i32>} : memref<1x1x8736xi32, #tpu.memory_space<vmem>>, vector<1x1x8736xi32>,
    %sub3A_54 = arith.subf %get3A_13, %get3A_18 : vector<4x8732xf32>
    %abs3A = math.absf %sub3A_54 : vector<4x8732xf32>
    %lt3A_55 = arith.constant 1.000000e+00 : f32
    %lt3A_56 = vector.broadcast %lt3A_55 : f32 to vector<4x8732xf32>
    %lt3A_57 = arith.cmpf olt, %abs3A, %lt3A_56 : vector<4x8732xf32>
    %mul3A = arith.constant 5.000000e-01 : f32
    %mul3A_58 = vector.broadcast %mul3A : f32 to vector<4x8732xf32>
    %mul3A_59 = arith.mulf %mul3A_58, %sub3A_54 : vector<4x8732xf32>
    %mul3A_60 = arith.mulf %mul3A_59, %sub3A_54 : vector<4x8732xf32>
    %sub3A_61 = arith.constant 5.000000e-01 : f32
    %sub3A_62 = vector.broadcast %sub3A_61 : f32 to vector<4x8732xf32>
    %sub3A_63 = arith.subf %abs3A, %sub3A_62 : vector<4x8732xf32>
    %select_n3A_64 = arith.select %lt3A_57, %mul3A_60, %sub3A_63 : vector<4x8732xi1>, vector<4x8732xf32>
    %reduce_sum3A_65 = arith.constant dense<0.000000e+00> : vector<8732xf32>
    %reduce_sum3A_66 = vector.multi_reduction <add>, %select_n3A_64, %reduce_sum3A_65 [0] : vector<4x8732xf32> to vector<8732xf32>
    %broadcast_in_dim3A_67 = vector.shape_cast %reduce_sum3A_66 : vector<8732xf32> to vector<1x8732xf32>
    %jit3A_68 = arith.constant 0.000000e+00 : f32
    %broadcast_in_dim3A_69 = vector.broadcast %jit3A_68 : f32 to vector<1x8732xf32>
    %select_n3A_70 = arith.select %and3A, %broadcast_in_dim3A_67, %broadcast_in_dim3A_69 : vector<1x8732xi1>, vector<1x8732xf32>
    %reduce_sum3A_71 = vector.shape_cast %select_n3A_70 : vector<1x8732xf32> to vector<1x1x8732xf32>
    %reduce_sum3A_72 = arith.constant dense<0.000000e+00> : vector<1xf32>
    %reduce_sum3A_73 = vector.multi_reduction <add>, %reduce_sum3A_71, %reduce_sum3A_72 [1, 2] : vector<1x1x8732xf32> to vector<1xf32>
    %reduce_sum3A_74 = vector.shape_cast %reduce_sum3A_73 : vector<1xf32> to vector<1x1x1xf32>
    %reduce_sum3A_75 = vector.extract %reduce_sum3A_74[0, 0, 0] : f32 from vector<1x1x1xf32>
    %jit3A_76 = arith.constant 0.000000e+00 : f32
    %broadcast_in_dim3A_77 = vector.broadcast %jit3A_76 : f32 to vector<1x8732xf32>
    %select_n3A_78 = arith.select %and3A, %sub3A_33, %broadcast_in_dim3A_77 : vector<1x8732xi1>, vector<1x8732xf32>
    %reduce_sum3A_79 = vector.shape_cast %select_n3A_78 : vector<1x8732xf32> to vector<1x1x8732xf32>
    %reduce_sum3A_80 = arith.constant dense<0.000000e+00> : vector<1xf32>
    %reduce_sum3A_81 = vector.multi_reduction <add>, %reduce_sum3A_79, %reduce_sum3A_80 [1, 2] : vector<1x1x8732xf32> to vector<1xf32>
    %reduce_sum3A_82 = vector.shape_cast %reduce_sum3A_81 : vector<1xf32> to vector<1x1x1xf32>
    %reduce_sum3A_83 = vector.extract %reduce_sum3A_82[0, 0, 0] : f32 from vector<1x1x1xf32>
    %jit3A_84 = arith.constant 1 : i32
    %jit3A_85 = arith.constant 0 : i32
    %broadcast_in_dim3A_86 = vector.broadcast %jit3A_84 : i32 to vector<1x8732xi32>
    %broadcast_in_dim3A_87 = vector.broadcast %jit3A_85 : i32 to vector<1x8732xi32>
    %select_n3A_88 = arith.select %and3A, %broadcast_in_dim3A_86, %broadcast_in_dim3A_87 : vector<1x8732xi1>, vector<1x8732xi32>
    %reduce_sum3A_89 = vector.shape_cast %select_n3A_88 : vector<1x8732xi32> to vector<1x1x8732xi32>
    %reduce_sum3A_90 = arith.constant dense<0> : vector<1xi32>
    %reduce_sum3A_91 = vector.multi_reduction <add>, %reduce_sum3A_89, %reduce_sum3A_90 [1, 2] : vector<1x1x8732xi32> to vector<1xi32>
    %reduce_sum3A_92 = vector.shape_cast %reduce_sum3A_91 : vector<1xi32> to vector<1x1x1xi32>
    %reduce_sum3A_93 = vector.extract %reduce_sum3A_92[0, 0, 0] : i32 from vector<1x1x1xi32>
    %swap3A_94 = arith.index_cast %arg0 : i32 to index
    %swap3A_95 = memref.load %arg8[%swap3A_94] : memref<32xi32, #tpu.memory_space<smem>>
    memref.store %reduce_sum3A_93, %arg8[%swap3A_94] : memref<32xi32, #tpu.memory_space<smem>>
    %broadcast_in_dim3A_96 = vector.broadcast %reduce_sum3A_93 : i32 to vector<1x16xi32>
    %convert_element_type3A = arith.sitofp %broadcast_in_dim3A_96 : vector<1x16xi32> to vector<1x16xf32>
    %swap3A_97 = arith.constant 0 : index
    %swap3A_98 = arith.constant 0 : index
    %swap3A_99 = arith.constant 0 : index
    %swap3A_100 = vector.load %arg7[%swap3A_97, %swap3A_98, %swap3A_99] : memref<1x1x16xf32, #tpu.memory_space<vmem>>, vector<1x1x16xf32>
    %swap3A_101 = vector.shape_cast %swap3A_100 : vector<1x1x16xf32> to vector<1x16xf32>
    %swap3A_102 = vector.shape_cast %convert_element_type3A : vector<1x16xf32> to vector<1x1x16xf32>
    tpu.vector_store %arg7[%swap3A_97, %swap3A_98, %swap3A_99], %swap3A_102 {strides = array<i32>} : memref<1x1x16xf32, #tpu.memory_space<vmem>>, vector<1x1x16xf32>,
    %eq3A_103 = arith.constant 0 : i32
    %eq3A_104 = arith.cmpi eq, %arg0, %eq3A_103 : i32
    %convert_element_type3A_105 = arith.extui %eq3A_104 : i1 to i32
    %cond3A = arith.constant 0 : i32
    %cond3A_106 = arith.cmpi ne, %convert_element_type3A_105, %cond3A : i32
    scf.if %cond3A_106 {
      %swap3A_111 = arith.constant 0 : index
      %swap3A_112 = memref.load %arg9[%swap3A_111] : memref<1xf32, #tpu.memory_space<smem>>
      memref.store %reduce_sum3A_83, %arg9[%swap3A_111] : memref<1xf32, #tpu.memory_space<smem>>
      %swap3A_113 = arith.constant 0 : index
      %swap3A_114 = memref.load %arg10[%swap3A_113] : memref<1xf32, #tpu.memory_space<smem>>
      memref.store %reduce_sum3A_75, %arg10[%swap3A_113] : memref<1xf32, #tpu.memory_space<smem>>
    } else {
    }
    %ne3A = arith.constant 0 : i32
    %ne3A_107 = arith.cmpi ne, %arg0, %ne3A : i32
    %convert_element_type3A_108 = arith.extui %ne3A_107 : i1 to i32
    %cond3A_109 = arith.constant 0 : i32
    %cond3A_110 = arith.cmpi ne, %convert_element_type3A_108, %cond3A_109 : i32
    scf.if %cond3A_110 {
      %get3A_111 = arith.constant 0 : index
      %get3A_112 = memref.load %arg9[%get3A_111] : memref<1xf32, #tpu.memory_space<smem>>
      %add3A_113 = arith.addf %get3A_112, %reduce_sum3A_83 : f32
      %swap3A_114 = arith.constant 0 : index
      %swap3A_115 = memref.load %arg9[%swap3A_114] : memref<1xf32, #tpu.memory_space<smem>>
      memref.store %add3A_113, %arg9[%swap3A_114] : memref<1xf32, #tpu.memory_space<smem>>
      %get3A_116 = arith.constant 0 : index
      %get3A_117 = memref.load %arg10[%get3A_116] : memref<1xf32, #tpu.memory_space<smem>>
      %add3A_118 = arith.addf %get3A_117, %reduce_sum3A_75 : f32
      %swap3A_119 = arith.constant 0 : index
      %swap3A_120 = memref.load %arg10[%swap3A_119] : memref<1xf32, #tpu.memory_space<smem>>
      memref.store %add3A_118, %arg10[%swap3A_119] : memref<1xf32, #tpu.memory_space<smem>>
    } else {
    }
    return
  }
  func.func @transform_0(%arg0: i32) -> (i32, i32, i32) {
    %c0_i32 = arith.constant 0 : i32
    %c0_i32_0 = arith.constant 0 : i32
    %c0_i32_1 = arith.constant 0 : i32
    return %arg0, %c0_i32, %c0_i32_0 : i32, i32, i32
  }
  func.func @transform_1(%arg0: i32) -> (i32, i32, i32) {
    %c0_i32 = arith.constant 0 : i32
    %c0_i32_0 = arith.constant 0 : i32
    %c0_i32_1 = arith.constant 0 : i32
    return %arg0, %c0_i32, %c0_i32_0 : i32, i32, i32
  }
  func.func @transform_2(%arg0: i32) -> (i32, i32, i32) {
    %c0_i32 = arith.constant 0 : i32
    %c0_i32_0 = arith.constant 0 : i32
    %c0_i32_1 = arith.constant 0 : i32
    return %arg0, %c0_i32, %c0_i32_0 : i32, i32, i32
  }
  func.func @transform_3(%arg0: i32) -> (i32, i32, i32) {
    %c0_i32 = arith.constant 0 : i32
    %c0_i32_0 = arith.constant 0 : i32
    %c0_i32_1 = arith.constant 0 : i32
    return %arg0, %c0_i32, %c0_i32_0 : i32, i32, i32
  }
  func.func @transform_4(%arg0: i32) -> (i32, i32, i32) {
    %c0_i32 = arith.constant 0 : i32
    %c0_i32_0 = arith.constant 0 : i32
    %c0_i32_1 = arith.constant 0 : i32
    return %arg0, %c0_i32, %c0_i32_0 : i32, i32, i32
  }
  func.func @transform_5(%arg0: i32) -> (i32, i32, i32) {
    %c0_i32 = arith.constant 0 : i32
    %c0_i32_0 = arith.constant 0 : i32
    %c0_i32_1 = arith.constant 0 : i32
    return %arg0, %c0_i32, %c0_i32_0 : i32, i32, i32
  }
  func.func @transform_6(%arg0: i32) -> (i32, i32, i32) {
    %c0_i32 = arith.constant 0 : i32
    %c0_i32_0 = arith.constant 0 : i32
    %c0_i32_1 = arith.constant 0 : i32
    return %arg0, %c0_i32, %c0_i32_0 : i32, i32, i32
  }
  func.func @transform_7(%arg0: i32) -> i32 {
    %c0_i32 = arith.constant 0 : i32
    %c0_i32_0 = arith.constant 0 : i32
    return %c0_i32 : i32
  }
  func.func @transform_8(%arg0: i32) -> i32 {
    %c0_i32 = arith.constant 0 : i32
    %c0_i32_0 = arith.constant 0 : i32
    return %c0_i32 : i32
  }
  func.func @transform_9(%arg0: i32) -> i32 {
    %c0_i32 = arith.constant 0 : i32
    %c0_i32_0 = arith.constant 0 : i32
    return %c0_i32 : i32
  }
}

</mosaic_0001>

<sc_bundles>
// kernel: kernel.4.cloned.1.call-start
scs
__scs_entry_jumppad:
0x0: {  	(pc) =	sbr.rel $0x88, $3  }
0x1: {  	(tag) =	ssettag $0x0;
	lr =	simm.s32 $0x1  }
0x2: {  	[smem:$0x3F9D] =	sst lr;
	_ =	strace $0xD0000000  }
0x3: {  	_ = 	snop  }
0x4: {  	_ = 	snop  }
0x5: {  	_ = 	snop  }
0x6: {  	_ = 	snop  }
0x7: {  	_ = 	snop  }
__scs_overlays_trampoline_lowered:
0x8: {  	[smem:$0x3FAC] =	sst s0  }
0x9: {  	[smem:$0x3FAD] =	sst s1  }
0xa: {  	[smem:$0x3FAE] =	sst s2  }
0xb: {  	[smem:$0x3FAF] =	sst s3  }
0xc: {  	[smem:$0x3FB0] =	sst s4  }
0xd: {  	[smem:$0x3FB1] =	sst s5  }
0xe: {  	[smem:$0x3FB2] =	sst s6  }
0xf: {  	[smem:$0x3FB3] =	sst s7  }
0x10: {  	[smem:$0x3FB4] =	sst s8  }
0x11: {  	[smem:$0x3FB5] =	sst s9;
	s0 =	simm.s32 @!p0 $0x0  }
0x12: {  	s1 =	sld [smem:$0x3F9B];
	s0 =	simm.s32 @p0 $0x1  }
0x13: {  	[smem:$0x3FB6] =	sst s0;
	s0 =	simm.s32 @!p1 $0x0  }
0x14: {  	s2 =	sld [smem:$0x3F9A];
	s0 =	simm.s32 @p1 $0x1  }
0x15: {  	[smem:$0x3FB7] =	sst s0;
	s0 =	simm.s32 @!p2 $0x0  }
0x16: {  	s3 =	sld [smem:$0x3FDB];
	s0 =	simm.s32 @p2 $0x1  }
0x17: {  	s4 =	simm.s32 $0x1BF5;
	[smem:$0x3FB9] =	sst s0  }
0x18: {  	s0 =	sld [smem:$0x3F9C];
	_ =	swait.ge [sflag:s4], $0x0  }
0x19: {  	s7 =	sld [smem:$0x3F9D]  }
0x1a: {  	s8 =	sadd.s32 $0xFFFFE003, lr  }
0x1b: {  	s9 =	sadd.s32 $0xFFFFFEF7, lr;
	s5 =	simm.s32 $0xFFFFFFFF;
	p2 =	slt.u32 s8, $0xFFFFF086  }
0x1c: {  	p1 =	slt.u32 s9, $0xF7A;
	s5 =	simm.s32 @!p2 $0x0  }
0x1d: {  	s5 =	simm.s32 @p1 $0x1;
	p0 =	seq.s32 s7, s2  }
0x1e: {  	s7 =	smul.u32 @!p0 $0xF7A, s2;
	p2 =	seq.s32 @!p0 s5, $0x0  }
0x1f: {  	s9 =	smul.u32 $0xF7A, s1;
	s8 =	simm.s32 @!p0 $0x1BF5;
	p2 =	por !p2, p0  }
0x20: {  	[sflag:s8] =	ssyncset.s32 @!p0 $0xFFFFF086;
	s6 =	sadd.s32 @!p0 s3, s7;
	s7 =	simm.s32 @!p0 $0x108  }
0x21: {  	s3 =	sadd.s32 s3, s9;
	s6 =	sadd.s32 @!p0 $0x88, s6;
	s7 =	simm.s32 @p2 $0x1082  }
0x22: {  	[simem:s7], [sflag:s8] =	dma.local @!p0 [hbm:s6], $0xF7A  }
0x23: {  	s9 =	sor.u32 $0xD0000000, s2;
	s6 =	simm.s32 $0x108;
	_ =	swait.ge @!p0 [sflag:s8], $0x0  }
0x24: {  	s3 =	sadd.s32 $0x88, s3;
	s6 =	simm.s32 @!p1 $0x1082;
	[sflag:s4] =	ssyncset.s32 $0xFFFFF086  }
0x25: {  	[simem:s6], [sflag:s4] =	dma.local [hbm:s3], $0xF7A  }
0x26: {  	[smem:$0x3F9D] =	sst s1;
	(tag) =	ssettag s2;
	_ =	strace s9  }
0x27: {  	s1 =	sld [smem:$0x3FAD]  }
0x28: {  	s2 =	sld [smem:$0x3FAE]  }
0x29: {  	s4 =	sld [smem:$0x3FB0]  }
0x2a: {  	p0 =	seq.s32 s5, $0x0;
	s5 =	sld [smem:$0x3FB1]  }
0x2b: {  	s6 =	sld [smem:$0x3FB2]  }
0x2c: {  	s7 =	sld [smem:$0x3FB3]  }
0x2d: {  	s3 =	simm.s32 $0x108;
	s8 =	sld [smem:$0x3FB4]  }
0x2e: {  	s3 =	simm.s32 @!p0 $0x1082;
	s9 =	sld [smem:$0x3FB5]  }
0x2f: {  	lr =	sadd.s32 s0, s3;
	s0 =	sld [smem:$0x3FAC]  }
0x30: {  	s3 =	sld [smem:$0x3FAF]  }
0x31: {  	[smem:$0x3FB8] =	sst s10  }
0x32: {  	s10 =	sld [smem:$0x3FB6];
	_ =	sdelay $0x3  }
0x33: {  	p0 =	seq.s32 s10, $0x1;
	s10 =	sld [smem:$0x3FB8];
	_ =	sdelay $0x3  }
0x34: {  	[smem:$0x3FB8] =	sst s10  }
0x35: {  	s10 =	sld [smem:$0x3FB7];
	_ =	sdelay $0x3  }
0x36: {  	p1 =	seq.s32 s10, $0x1;
	s10 =	sld [smem:$0x3FB8];
	_ =	sdelay $0x3  }
0x37: {  	[smem:$0x3FB8] =	sst s10  }
0x38: {  	s10 =	sld [smem:$0x3FB9]  }
0x39: {  	_ = 	snop;
	(pc) =	sbr.ind lr, $3  }
0x3a: {  	_ = 	snop  }
0x3b: {  	_ = 	snop  }
0x3c: {  	p2 =	seq.s32 s10, $0x1;
	s10 =	sld [smem:$0x3FB8]  }
0x3d: {  	_ =	shalt  }
0x3e: {  	_ =	shalt  }
0x3f: {  	_ =	shalt  }
0x40: {  	_ =	shalt  }
0x41: {  	_ =	shalt  }
0x42: {  	_ =	shalt  }
0x43: {  	_ =	shalt  }
0x44: {  	_ =	shalt  }
0x45: {  	_ =	shalt  }
0x46: {  	_ =	shalt  }
0x47: {  	_ =	shalt  }
0x48: {  	_ =	shalt  }
0x49: {  	_ =	shalt  }
0x4a: {  	_ =	shalt  }
0x4b: {  	_ =	shalt  }
0x4c: {  	_ =	shalt  }
0x4d: {  	_ =	shalt  }
0x4e: {  	_ =	shalt  }
0x4f: {  	_ =	shalt  }
0x50: {  	_ =	shalt  }
0x51: {  	_ =	shalt  }
0x52: {  	_ =	shalt  }
0x53: {  	_ =	shalt  }
0x54: {  	_ =	shalt  }
0x55: {  	_ =	shalt  }
0x56: {  	_ =	shalt  }
0x57: {  	_ =	shalt  }
0x58: {  	_ =	shalt  }
0x59: {  	_ =	shalt  }
0x5a: {  	_ =	shalt  }
0x5b: {  	_ =	shalt  }
0x5c: {  	_ =	shalt  }
0x5d: {  	_ =	shalt  }
0x5e: {  	_ =	shalt  }
0x5f: {  	_ =	shalt  }
0x60: {  	_ =	shalt  }
0x61: {  	_ =	shalt  }
0x62: {  	_ =	shalt  }
0x63: {  	_ =	shalt  }
0x64: {  	_ =	shalt  }
0x65: {  	_ =	shalt  }
0x66: {  	_ =	shalt  }
0x67: {  	_ =	shalt  }
0x68: {  	_ =	shalt  }
0x69: {  	_ =	shalt  }
0x6a: {  	_ =	shalt  }
0x6b: {  	_ =	shalt  }
0x6c: {  	_ =	shalt  }
0x6d: {  	_ =	shalt  }
0x6e: {  	_ =	shalt  }
0x6f: {  	_ =	shalt  }
0x70: {  	_ =	shalt  }
0x71: {  	_ =	shalt  }
0x72: {  	_ =	shalt  }
0x73: {  	_ =	shalt  }
0x74: {  	_ =	shalt  }
0x75: {  	_ =	shalt  }
0x76: {  	_ =	shalt  }
0x77: {  	_ =	shalt  }
0x78: {  	_ =	shalt  }
0x79: {  	_ =	shalt  }
0x7a: {  	_ =	shalt  }
0x7b: {  	_ =	shalt  }
0x7c: {  	_ =	shalt  }
0x7d: {  	_ =	shalt  }
0x7e: {  	_ =	shalt  }
0x7f: {  	_ =	shalt  }
0x80: {  	_ =	shalt  }
0x81: {  	_ =	shalt  }
0x82: {  	_ =	shalt  }
0x83: {  	_ =	shalt  }
0x84: {  	_ =	shalt  }
0x85: {  	_ =	shalt  }
0x86: {  	_ =	shalt  }
0x87: {  	_ =	shalt  }
.Lfunc_end0:
.L_simem_size_0:
called_computation_lowered:
.L_overlay_start_0:
0x88: {  	s2 =	sld [smem:$0x3FD9]  }
0x89: {  	s3 =	sld [smem:$0x3FFE];
	_ =	sdelay $0x1  }
0x8a: {  	s1 =	srdreg.scid  }
0x8b: {  	s0 =	sand.u32 $0x1, s1  }
0x8c: {  	s16 =	sshll.u32 s0, $0xA;
	s2 =	sadd.s32 s3, s2  }
0x8d: {  	s2 =	sadd.s32 s2, s16  }
0x8e: {  	[smem:$0x3FC4] =	sst s2  }
0x8f: {  	_ = 	snop  }
0x90: {  	(tm) =	ssettm $0x1  }
0x91: {  	s17 =	sld [smem:$0x3FFB];
	_ =	sdelay $0x3  }
0x92: {  	_ =	strace s17  }
0x93: {  	s2 =	sld [smem:$0x3FFC];
	_ =	sdelay $0x3  }
0x94: {  	_ =	strace s2  }
0x95: {  	s2 =	sld [smem:$0x3FFD];
	_ =	sdelay $0x3  }
0x96: {  	_ =	strace s2  }
0x97: {  	_ =	strace $0x8FFFFFFF  }
0x98: {  	s18 =	sld [smem:$0x3FDB];
	_ =	sdelay $0x1  }
0x99: {  	s19 =	simm.s32 $_scs_section_size  }
0x9a: {  	s4 =	simm.s32 $_size__tile_overlayer_lowered;
	s5 =	simm.s32 $_tile_overlayer_lowered  }
0x9b: {  	s22 =	simm.s32 $0x1BFF;
	s21 =	sshll.u32 s5, $0x1;
	s2 =	sadd.s32 s19, s18  }
0x9c: {  	s6 =	simm.s32 $0x0;
	s20 =	sshll.u32 s4, $0x1;
	s4 =	sadd.s32 s21, s2  }
0x9d: {  	[timem:s6], [sflag:s22] =	dma.local [hbm:s4], s20  }
0x9e: {  	_ =	swait.ge [sflag:s22], s20  }
0x9f: {  	s3 =	ssub.s32 $0x0, s20;
	[sflag:s22] =	ssyncset.done $0x0  }
0xa0: {  	[sflag:s22] =	ssyncadd.s32 s3;
	_ =	sdelay $0x1  }
0xa1: {  	s23 =	simm.s32 $0x1B8B  }
0xa2: {  	_ =	swait.ge [sflag:s23], $0x1  }
0xa3: {  	[sflag:s23] =	ssyncset.done $0x0  }
0xa4: {  	s25 =	simm.s32 $0x1B8E;
	s24 =	sld [smem:$0x3FFE];
	[sflag:s23] =	ssyncadd.s32 $0xFFFFFFFF  }
0xa5: {  	s26 =	simm.s32 $execute0_lowered;
	[smem:$0x3FD2] =	sst s25  }
0xa6: {  	s4 =	sshll.u32 s26, $0x1;
	_ =	strace $0x80000046;
	[dreg:$0x1] =	wrdreg $0xFFFFFFFF  }
0xa7: {  	s28 =	simm.s32 $_size_execute0_lowered;
	s2 =	sadd.s32 s2, s4;
	[dreg:$0x0] =	wrdreg $0x0  }
0xa8: {  	s4 =	sshll.u32 s28, $0x1;
	[dreg:$0x2] =	wrdreg s2  }
0xa9: {  	[dreg:$0x3] =	wrdreg s4  }
0xaa: {  	[dreg:$0x4] =	wrdreg $0xC0  }
0xab: {  	_ =	task [dreg:s6], $0x5FFFF  }
0xac: {  	[dreg:$0x1] =	wrdreg $0xFFFFFFFF  }
0xad: {  	[dreg:$0x0] =	wrdreg $0x60  }
0xae: {  	[dreg:$0x2] =	wrdreg s24  }
0xaf: {  	[dreg:$0x3] =	wrdreg $0x9  }
0xb0: {  	_ =	task.clear_ibuf [dreg:s6], $0x4FFFF;
	_ =	strace $0x90000046  }
0xb1: {  	s29 =	simm.s32 $0x9;
	_ =	strace $0x80000048  }
0xb2: {  	_ =	swait.ge [sflag:s29], $0x1  }
0xb3: {  	[sflag:s29] =	ssyncadd.s32 $0xFFFFFFFF  }
0xb4: {  	_ =	strace $0x90000048  }
0xb5: {  	_ =	sfence  }
0xb6: {  	s30 =	sld [smem:$0x0];
	_ =	sdelay $0x2  }
0xb7: {  	s31 =	sshll.u32 s1, $0xD;
	s1 =	sshrl.u32 s1, $0x2  }
0xb8: {  	s3 =	sand.u32 $0x4000, s31;
	s1 =	sadd.s32 s1, s30  }
0xb9: {  	s0 =	sor.u32 s3, s0;
	s1 =	sshll.u32 s1, $0x11  }
0xba: {  	s0 =	sor.u32 s1, s0  }
0xbb: {  	s0 =	sadd.s32 $0x8F2B, s0  }
0xbc: {  	[sflag:s0] =	ssyncadd.remote.s32 $0x1  }
0xbd: {  	_ =	sfence.sel $0xFFFF  }
0xbe: {  	[dreg:$0x0] =	wrdreg $0xFFFFFFFF;
	(pc) =	sbr.abs _section_cstart, $3  }
0xbf: {  	[dreg:$0x1] =	wrdreg $0xFFFFFFFF  }
0xc0: {  	_ =	task.clear_ibuf [dreg:s6], $0x2FFFF;
	_ =	strace $0x9FFFFFFF  }
0xc1: {  	(tm) =	ssettm $0x7FFFFFFF  }
tec
execute0_lowered:
.L_overlay_start_1:
0x0: {  	(tag) =	ssettag $0x1  }
0x1: {  	s3 =	rddreg [dreg:$0x0]  }
0x2: {  	s0 =	rddreg [dreg:$0x1];
	v0 =	vimm.s32 $0xEFCDAB89;
	v1 =	vimm.s32 $0x67452301  }
0x3: {  	s2 =	simm.s32 $0x0;
	s4 =	srdreg.scid;
	s1 =	stileid.u32;
	v2 =	vimm.s32 $0xDCFE98BA;
	v3 =	vimm.s32 $0x54761032;
	v4 =	vimm.s32 $0xBA98FEDC  }
0x4: {  	v5 =	vimm.s32 $0x32107654;
	v6 =	vimm.s32 $0xFEDCBA98;
	s9 =	simm.s32 $0x400;
	s10 =	simm.s32 $0x1;
	s11 =	simm.s32 $0x2280  }
0x5: {  	v7 =	vimm.s32 $0x76543210;
	s12 =	simm.s32 $0x4500;
	s13 =	simm.s32 $0x40000000;
	s14 =	simm.s32 $0x4580  }
0x6: {  	s15 =	simm.s32 $0x0;
	[smem:$0x7FF] =	sst s2;
	v0 =	vunpack.c.l.s4.s8 v0;
	s4 =	sand.u32 $0x1, s4;
	v1 =	vunpack.c.l.s4.s8 v1;
	v2 =	vunpack.c.l.s4.s8 v2  }
0x7: {  	s5 =	sshrl.u32 s1, $0x2;
	s6 =	sshll.u32 s1, $0x8;
	v3 =	vunpack.c.l.s4.s8 v3;
	v4 =	vunpack.c.l.s4.s8 v4;
	v5 =	vunpack.c.l.s4.s8 v5;
	s7 =	sshll.u32 s4, $0x7  }
0x8: {  	v6 =	vunpack.c.l.s4.s8 v6;
	v7 =	vunpack.c.l.s4.s8 v7;
	s6 =	sand.u32 $0x300, s6;
	s8 =	smul.u32 $0x11400, s5;
	_ =	strace $0x80000047;
	v0 =	vunpack.c.0.s8.s32 v0  }
0x9: {  	s5 =	sshll.u32 s5, $0xA;
	s4 =	ssub.s32 $0x2, s4;
	s6 =	sor.u32 s7, s6;
	v1 =	vunpack.c.0.s8.s32 v1;
	v2 =	vunpack.c.0.s8.s32 v2;
	v3 =	vunpack.c.0.s8.s32 v3  }
.Ltmp0:
0xa: {  	v4 =	vunpack.c.0.s8.s32 v4;
	v5 =	vunpack.c.0.s8.s32 v5;
	v6 =	vunpack.c.0.s8.s32 v6;
	s7 =	sor.u32 s8, s6;
	s5 =	sor.u32 s5, s6;
	(pc) =	sbr.rel .LBB2_1-.Ltmp0, $4  }
0xb: {  	s30 =	sshrl.u32 s4, $0x1;
	v7 =	vunpack.c.0.s8.s32 v7;
	s7 =	sshrl.u32 s7, $0x3;
	s5 =	sshrl.u32 s5, $0x3;
	v0 =	vcombine.low v1, v0  }
0xc: {  	s8 =	simm.s32 $0x80;
	v1 =	vcombine.low v3, v2;
	v3 =	vcombine.low v5, v4;
	v8 =	vand.u32 $0xF, v6;
	s29 =	sadd.s32 s7, s3;
	s31 =	sadd.s32 s5, s3  }
0xd: {  	v2 =	vimm.f32 $0.0e+00;
	s7 =	ssub.s32 s4, s30;
	v7 =	vcombine.low v8, v7;
	v8 =	vimm.f32 $1.000000000e+00;
	s3 =	sadd.s32 $0x1000, s29;
	s4 =	sadd.s32 $0x9A00, s29  }
0xe: {  	s5 =	sadd.s32 $0xE00, s31;
	s6 =	sadd.s32 $0x12400, s31;
	s7 =	smax.u32 s7, $0x1;
	v4 =	vand.u32 $0xF, v0;
	v5 =	vand.u32 $0xF, v1;
	v6 =	vand.u32 $0xF, v3  }
.LBB2_10:
0xf: {  	s15 =	sadd.s32 $0x1, s15  }
0x10: {  	v9 =	vmov s19;
	p0 =	sne.s32 s15, s7  }
.Ltmp1:
0x11: {  	[tilespmem:$0x4580] =	vst v9;
	(pc) =	sbr.rel @!p0 .LBB2_11-.Ltmp1, $4  }
0x12: {  	[hbm4b:s6+s2] =	stream.linear.scatter [tilespmem:s14], [sflag:$0x1], $0x80, $0x38;
	[tilespmem:$0x4600] =	vst v63  }
0x13: {  	_ =	swait.ge [sflag:s10], $0x80  }
0x14: {  	[sflag:s10] =	ssyncset.done $0x0  }
0x15: {  	[sflag:s10] =	ssyncadd.s32 $0xFFFFFF80  }
.LBB2_1:
0x16: {  	[tilespmem:s2], [sflag:$0x1] =	stream.strided.gather [hbm4b:s3+s8], $0x2280, s9, s8, $0x38;
	[tilespmem:$0x4600] =	vst v63  }
0x17: {  	_ =	swait.ge [sflag:s10], $0x2280  }
0x18: {  	[sflag:s10] =	ssyncset.done $0x0  }
0x19: {  	[sflag:s10] =	ssyncadd.s32 $0xFFFFDD80  }
0x1a: {  	[tilespmem:s11], [sflag:$0x1] =	stream.strided.gather [hbm4b:s4+s8], $0x2280, s9, s8, $0x38;
	[tilespmem:$0x4600] =	vst v63  }
0x1b: {  	_ =	swait.ge [sflag:s10], $0x2280  }
0x1c: {  	[sflag:s10] =	ssyncset.done $0x0  }
0x1d: {  	[sflag:s10] =	ssyncadd.s32 $0xFFFFDD80  }
0x1e: {  	[tilespmem:s12], [sflag:$0x1] =	stream.linear.gather [hbm4b:s5+s2], $0x80, $0x38;
	[tilespmem:$0x4600] =	vst v63  }
0x1f: {  	_ =	swait.ge [sflag:s10], $0x80  }
0x20: {  	[sflag:s10] =	ssyncset.done $0x0  }
0x21: {  	s17 =	simm.s32 $0x0;
	[sflag:s10] =	ssyncadd.s32 $0xFFFFFF80  }
0x22: {  	v12 =	vld [tilespmem:s17+$0x0]  }
0x23: {  	s16 =	simm.s32 $0x40;
	v10 =	vimm.f32 $0.0e+00;
	v11 =	vimm.f32 $0.0e+00;
	v9 =	vld [tilespmem:$0x4500]  }
.LBB2_2:
0x24: {  	p0 =	sne.s32 s16, $0x8840  }
.Ltmp2:
0x25: {  	_ = 	snop;
	(pc) =	sbr.rel @p0 .LBB2_2-.Ltmp2, $4  }
0x26: {  	_ = 	snop  }
0x27: {  	s17 =	sshra.s32 s16, $0x2;
	s16 =	sadd.s32 $0x40, s16;
	vm0 =	vge.f32 v12, $0.0e+00  }
0x28: {  	v13 =	vnsel vm0, $0x0, v12;
	v12 =	vld [tilespmem:s17+$0x0];
	v14 =	vsel vm0, $0x3F800000, v2  }
0x29: {  	v10 =	vadd.f32 v13, v10;
	v11 =	vadd.f32 v14, v11  }
0x2a: {  	_ =	sdelay $0x2  }
0x2b: {  	vm0 =	vge.f32 v12, $0.0e+00  }
0x2c: {  	v12 =	vnsel vm0, $0x0, v12  }
0x2d: {  	v13 =	vsel vm0, $0x3F800000, v2;
	v10 =	vadd.f32 v12, v10  }
0x2e: {  	v11 =	vadd.f32 v13, v11  }
0x2f: {  	v12 =	vperm.xlane v10, v4  }
0x30: {  	v13 =	vperm.xlane v11, v4  }
0x31: {  	v10 =	vadd.f32 v12, v10  }
0x32: {  	v11 =	vadd.f32 v13, v11  }
0x33: {  	v12 =	vperm.xlane v10, v5  }
0x34: {  	v13 =	vperm.xlane v11, v5  }
0x35: {  	v10 =	vadd.f32 v12, v10  }
0x36: {  	v11 =	vadd.f32 v13, v11  }
0x37: {  	v12 =	vperm.xlane v10, v6  }
0x38: {  	v13 =	vperm.xlane v11, v6  }
0x39: {  	v10 =	vadd.f32 v12, v10  }
0x3a: {  	v11 =	vadd.f32 v13, v11  }
0x3b: {  	v12 =	vperm.xlane v10, v7  }
0x3c: {  	v13 =	vperm.xlane v11, v7  }
0x3d: {  	(v2sf) =	vpush v9, $0x0;
	v9 =	vadd.f32 v12, v10  }
0x3e: {  	v10 =	vadd.f32 v13, v11  }
0x3f: {  	(v2sf) =	vpush v9, $0x0  }
0x40: {  	(v2sf) =	vpush v10, $0x0;
	_ =	sdelay $0xb  }
0x41: {  	s16 =	spop (v2sf)  }
0x42: {  	s17 =	smul.f32 $3.000000000e+00, s16;
	s16 =	ssub.f32 $8.732000000e+03, s16  }
0x43: {  	s19 =	spop (v2sf)  }
0x44: {  	s16 =	smin.f32 s17, s16;
	s31 =	spop (v2sf)  }
0x45: {  	p0 =	sge.f32 s16, s31  }
.Ltmp3:
0x46: {  	_ = 	snop;
	(pc) =	sbr.rel @p0 .LBB2_10-.Ltmp3, $2  }
0x47: {  	_ =	sdelay $0x2  }
0x48: {  	s18 =	simm.s32 $0x0;
	s17 =	simm.s32 $0x0  }
.LBB2_4:
0x49: {  	s19 =	sshrl.u32 s13, s18;
	s21 =	simm.s32 $0x0  }
0x4a: {  	s19 =	sor.u32 s19, s17;
	v11 =	vld [tilespmem:s21+$0x2280]  }
0x4b: {  	v9 =	vimm.f32 $0.0e+00;
	s20 =	simm.s32 $0x40;
	v10 =	vmov s19  }
.LBB2_5:
0x4c: {  	p0 =	sne.s32 s20, $0x8840  }
.Ltmp4:
0x4d: {  	_ = 	snop;
	(pc) =	sbr.rel @p0 .LBB2_5-.Ltmp4, $4  }
0x4e: {  	_ = 	snop  }
0x4f: {  	s21 =	sshra.s32 s20, $0x2;
	s20 =	sadd.s32 $0x40, s20;
	vm0 =	vlt.s32 v11, v10  }
0x50: {  	v11 =	vld [tilespmem:s21+$0x2280];
	v12 =	vsel vm0, $0x0, v8  }
0x51: {  	v9 =	vadd.f32 v12, v9  }
0x52: {  	_ =	sdelay $0x2  }
0x53: {  	vm0 =	vlt.s32 v11, v10  }
0x54: {  	v10 =	vsel vm0, $0x0, v8  }
0x55: {  	v9 =	vadd.f32 v10, v9;
	_ =	sdelay $0x1  }
0x56: {  	v10 =	vperm.xlane v9, v0;
	_ =	sdelay $0x1  }
0x57: {  	v9 =	vadd.f32 v10, v9;
	_ =	sdelay $0x1  }
0x58: {  	v10 =	vperm.xlane v9, v1;
	_ =	sdelay $0x1  }
0x59: {  	v9 =	vadd.f32 v10, v9;
	_ =	sdelay $0x1  }
0x5a: {  	v10 =	vperm.xlane v9, v3;
	_ =	sdelay $0x1  }
0x5b: {  	v9 =	vadd.f32 v10, v9;
	_ =	sdelay $0x1  }
0x5c: {  	v10 =	vperm.xlane v9, v7;
	_ =	sdelay $0x1  }
0x5d: {  	v9 =	vadd.f32 v10, v9;
	_ =	sdelay $0x1  }
0x5e: {  	(v2sf) =	vpush v9, $0x0;
	_ =	sdelay $0xb  }
0x5f: {  	s18 =	sadd.s32 $0x1, s18  }
0x60: {  	p1 =	seq.s32 s18, $0x1F  }
.Ltmp5:
0x61: {  	_ = 	snop;
	(pc) =	sbr.rel @!p1 .LBB2_4-.Ltmp5, $3  }
0x62: {  	s20 =	spop (v2sf)  }
0x63: {  	p0 =	sge.f32 s20, s16;
	_ =	sdelay $0x1  }
0x64: {  	s17 =	smov.u32 @p0 s19  }
0x65: {  	s18 =	simm.s32 $0x0  }
0x66: {  	v10 =	vmov s17;
	v11 =	vld [tilespmem:s18+$0x2280]  }
0x67: {  	v9 =	vimm.f32 $0.0e+00;
	s17 =	simm.s32 $0x40;
	v13 =	vimm.f32 $0.0e+00;
	v14 =	vimm.f32 $0.0e+00;
	v12 =	vld [tilespmem:s18+$0x0]  }
.LBB2_8:
0x68: {  	p0 =	sne.s32 s17, $0x8840  }
.Ltmp6:
0x69: {  	_ = 	snop;
	(pc) =	sbr.rel @p0 .LBB2_8-.Ltmp6, $4  }
0x6a: {  	_ = 	snop  }
0x6b: {  	s18 =	sshra.s32 s17, $0x2;
	s17 =	sadd.s32 $0x40, s17;
	vm0 =	vgt.s32 v11, v10;
	vm1 =	veq.s32 v11, v10  }
0x6c: {  	v11 =	vld [tilespmem:s18+$0x2280];
	v15 =	vnsel vm0, $0x0, v12;
	v16 =	vsel vm0, $0x3F800000, v2;
	v9 =	vsel vm1, v12, v9  }
0x6d: {  	v12 =	vld [tilespmem:s18+$0x0];
	v13 =	vadd.f32 v15, v13;
	v14 =	vadd.f32 v16, v14  }
0x6e: {  	_ =	sdelay $0x2  }
0x6f: {  	vm0 =	vgt.s32 v11, v10  }
0x70: {  	v15 =	vnsel vm0, $0x0, v12  }
0x71: {  	v16 =	vsel vm0, $0x3F800000, v2;
	v13 =	vadd.f32 v15, v13  }
0x72: {  	v14 =	vadd.f32 v16, v14  }
0x73: {  	v15 =	vperm.xlane v13, v4  }
0x74: {  	v16 =	vperm.xlane v14, v4  }
0x75: {  	v13 =	vadd.f32 v15, v13  }
0x76: {  	v14 =	vadd.f32 v16, v14  }
0x77: {  	v15 =	vperm.xlane v13, v5  }
0x78: {  	v16 =	vperm.xlane v14, v5  }
0x79: {  	vm15 =	veq.s32 v11, v10;
	v10 =	vadd.f32 v15, v13  }
0x7a: {  	v9 =	vsel vm15, v12, v9;
	v11 =	vadd.f32 v16, v14  }
0x7b: {  	v61 =	vperm.xlane v9, v4;
	v60 =	vperm.xlane v10, v6  }
0x7c: {  	v14 =	vperm.xlane v11, v6  }
0x7d: {  	v9 =	vmax.f32 v9, v61;
	v10 =	vadd.f32 v60, v10  }
0x7e: {  	v62 =	vperm.xlane v9, v5;
	v11 =	vadd.f32 v14, v11  }
0x7f: {  	v63 =	vperm.xlane v10, v7  }
0x80: {  	v9 =	vmax.f32 v9, v62;
	v14 =	vperm.xlane v11, v7  }
0x81: {  	v12 =	vperm.xlane v9, v6;
	v10 =	vadd.f32 v63, v10  }
0x82: {  	v11 =	vadd.f32 v14, v11  }
0x83: {  	v9 =	vmax.f32 v9, v12;
	(v2sf) =	vpush v10, $0x0  }
0x84: {  	v10 =	vperm.xlane v9, v7;
	(v2sf) =	vpush v11, $0x0;
	_ =	sdelay $0x1  }
0x85: {  	v9 =	vmax.f32 v9, v10  }
0x86: {  	(v2sf) =	vpush v9, $0x0;
	_ =	sdelay $0xa  }
0x87: {  	s17 =	spop (v2sf)  }
0x88: {  	s18 =	spop (v2sf)  }
0x89: {  	s16 =	ssub.f32 s16, s18  }
.Ltmp7:
0x8a: {  	_ = 	snop;
	(pc) =	sbr.rel .LBB2_10-.Ltmp7, $3  }
0x8b: {  	s31 =	spop (v2sf);
	s16 =	smax.f32 s16, $0.0e+00  }
0x8c: {  	s16 =	smul.f32 s31, s16;
	_ =	sdelay $0x1  }
0x8d: {  	s19 =	sadd.f32 s16, s17  }
.LBB2_11:
0x8e: {  	_ =	sfence.sel $0x180000  }
0x8f: {  	[bflag:$0x0] =	sbarrier.arrive $0xFFFF  }
0x90: {  	p0 =	sne.s32 s1, $0x0;
	_ =	strace $0x90000047  }
0x91: {  	s0 =	sadd.s32 @!p0 $0x100000, s0;
	[bflag:$0x2] =	sbarrier.arrive $0xFFFF  }
0x92: {  	[sflag:s0] =	ssyncadd.tile.s32 @!p0 $0x1;
	_ =	shalt  }
.Lfunc_end2:
_tile_overlayer_lowered:
.L_overlay_start_2:
0x93: {  	(tag) =	ssettag $0x2  }
0x94: {  	s0 =	rddreg [dreg:$0x0];
	s2 =	stileid.u32  }
0x95: {  	s1 =	rddreg [dreg:$0x1];
	p0 =	sne.s32 s2, $0x0  }
0x96: {  	s3 =	rddreg [dreg:$0x2];
	[bflag:$0x3] =	sbarrier.arrive $0xFFFF;
	s2 =	simm.s32 @!p0 $0x1C01  }
0x97: {  	[timem:s3], [sflag:s2] =	dma.local @!p0 [hbm:s0], s1  }
0x98: {  	s0 =	simm.s32 @!p0 $0x1  }
0x99: {  	_ =	swait.ge @!p0 [sflag:s0], s1  }
0x9a: {  	s1 =	ssub.s32 @!p0 $0x0, s1;
	[sflag:s0] =	ssyncset.done @!p0 $0x0  }
0x9b: {  	[sflag:s0] =	ssyncadd.s32 @!p0 s1  }
0x9c: {  	[bflag:$0x3] =	sbarrier.arrive $0xFFFF  }
0x9d: {  	_ =	shalt  }

</sc_bundles>
